<compile_context>
chip_gen: v7x
topology: tpu7x:2x2x1
jax: 0.10.2.dev20260603
libtpu: 0.0.44.dev20260713+nightly
codegen_flags: <defaults>
</compile_context>

<pallas_src>
import functools

import jax
import jax.numpy as jnp
from jax import lax
from jax.experimental import pallas as pl
from jax.experimental.pallas import tpu as pltpu
from jax.experimental.pallas import tpu_sc as plsc

N = 10000
NP = 10240
D = 128
E = 320000
NC = 2
NS = 16
NW = NC * NS
EPW = E // NW
CH = 80
NCHUNK = EPW // CH
STRIPE = NP // NS
DEG_W = 16
K = 4
NOUT = NCHUNK // K
NREM = NCHUNK - NOUT * K

_mesh = plsc.VectorSubcoreMesh(
    core_axis_name="c", subcore_axis_name="s", num_cores=NC, num_subcores=NS)


@functools.partial(
    pl.kernel,
    out_type=jax.ShapeDtypeStruct((NC, NP, DEG_W), jnp.float32),
    mesh=_mesh,
    scratch_types=[
        pltpu.VMEM_SHARED((NP, DEG_W), jnp.float32),
        pltpu.VMEM((STRIPE, DEG_W), jnp.float32),
        pltpu.VMEM((CH, DEG_W), jnp.float32),
        pltpu.VMEM((NCHUNK, CH), jnp.int32),
        pltpu.SemaphoreType.DMA,
    ],
)
def _sc_degree(dst_hbm, out_hbm, acc, zbuf, ones_v, didx, ssem):
    c = lax.axis_index("c")
    s = lax.axis_index("s")
    wid = s * NC + c

    def zfill(i, carry):
        zbuf[i, :] = jnp.zeros((DEG_W,), jnp.float32)
        return carry

    lax.fori_loop(0, STRIPE, zfill, 0)

    def ofill(i, carry):
        ones_v[i, :] = jnp.ones((DEG_W,), jnp.float32)
        return carry

    lax.fori_loop(0, CH, ofill, 0)

    pltpu.sync_copy(dst_hbm.at[wid], didx)
    r0 = s * STRIPE
    pltpu.sync_copy(zbuf, acc.at[pl.ds(r0, STRIPE)])
    plsc.subcore_barrier()

    def outer(g, carry):
        descs = [
            pltpu.async_copy(ones_v, acc.at[didx.at[g * K + b]], ssem, add=True)
            for b in range(K)
        ]
        for d in descs:
            d.wait()
        return carry

    lax.fori_loop(0, NCHUNK // K, outer, 0)
    for j in range(NCHUNK - (NCHUNK // K) * K):
        pltpu.async_copy(
            ones_v, acc.at[didx.at[(NCHUNK // K) * K + j]], ssem,
            add=True).wait()
    plsc.subcore_barrier()
    pltpu.sync_copy(acc.at[pl.ds(r0, STRIPE)], out_hbm.at[c, pl.ds(r0, STRIPE)])


BCH = 128
BNCH = EPW // BCH
BTAIL = EPW - BNCH * BCH
BK = 2
_ROWS_T = pltpu.VMEM((BCH, D), jnp.float32)
_IDX_T = pltpu.VMEM((BCH,), jnp.int32)


@functools.partial(
    pl.kernel,
    out_type=jax.ShapeDtypeStruct((NC, NP, D), jnp.float32),
    mesh=_mesh,
    scratch_types=(
        [pltpu.VMEM_SHARED((NP, D), jnp.float32)]
        + [_ROWS_T] * BK + [_IDX_T] * BK + [_IDX_T] * BK
        + [pltpu.VMEM((BTAIL, D), jnp.float32),
           pltpu.VMEM((BTAIL,), jnp.int32), pltpu.VMEM((BTAIL,), jnp.int32)]
        + [pltpu.SemaphoreType.DMA] * 3
    ),
)
def _sc_scatter(y_hbm, src_hbm, dst_hbm, out_hbm, acc, *scr):
    rows = scr[:BK]
    sidx = scr[BK:2 * BK]
    didx = scr[2 * BK:3 * BK]
    trow, tsi, tdi = scr[3 * BK:3 * BK + 3]
    isem, gsem, ssem = scr[3 * BK + 3:]
    c = lax.axis_index("c")
    s = lax.axis_index("s")
    wid = s * NC + c
    e0 = wid * EPW
    r0 = s * STRIPE
    pltpu.sync_copy(y_hbm.at[pl.ds(r0, STRIPE)], acc.at[pl.ds(r0, STRIPE)])
    plsc.subcore_barrier()

    def outer(g, carry):
        j0 = g * BK
        ids = []
        for b in range(BK):
            base = e0 + (j0 + b) * BCH
            ids.append(pltpu.async_copy(src_hbm.at[pl.ds(base, BCH)], sidx[b],
                                        isem))
            ids.append(pltpu.async_copy(dst_hbm.at[pl.ds(base, BCH)], didx[b],
                                        isem))
        gds = []
        for b in range(BK):
            ids[2 * b].wait()
            gds.append(pltpu.async_copy(y_hbm.at[sidx[b]], rows[b], gsem))
        sds = []
        for b in range(BK):
            gds[b].wait()
            ids[2 * b + 1].wait()
            sds.append(pltpu.async_copy(rows[b], acc.at[didx[b]], ssem,
                                        add=True))
        for d in sds:
            d.wait()
        return carry

    lax.fori_loop(0, BNCH // BK, outer, 0)
    tbase = e0 + BNCH * BCH
    pltpu.sync_copy(src_hbm.at[pl.ds(tbase, BTAIL)], tsi)
    pltpu.sync_copy(dst_hbm.at[pl.ds(tbase, BTAIL)], tdi)
    pltpu.async_copy(y_hbm.at[tsi], trow, gsem).wait()
    pltpu.sync_copy(trow, acc.at[tdi], add=True)
    plsc.subcore_barrier()
    pltpu.sync_copy(acc.at[pl.ds(r0, STRIPE)], out_hbm.at[c, pl.ds(r0, STRIPE)])


BR = 2048


def _dinv(degp):
    deg = degp[0, :, 0:1] + degp[1, :, 0:1] + 1.0
    return lax.rsqrt(deg)


def _tc_prescale_body(degp_ref, x_ref, w_ref, y_ref):
    y_ref[...] = (
        jnp.dot(x_ref[...], w_ref[...], preferred_element_type=jnp.float32)
        * _dinv(degp_ref[...]))


def _tc_mid_body(degp_ref, p_ref, y1_ref, b_ref, w_ref, y2_ref):
    dinv = _dinv(degp_ref[...])
    p = p_ref[...]
    agg = p[0] + p[1] - y1_ref[...]
    h = jnp.maximum(agg * dinv + b_ref[...], 0.0)
    y2_ref[...] = (
        jnp.dot(h, w_ref[...], preferred_element_type=jnp.float32) * dinv)


def _tc_final_body(degp_ref, p_ref, y2_ref, b_ref, o_ref):
    dinv = _dinv(degp_ref[...])
    p = p_ref[...]
    agg = p[0] + p[1] - y2_ref[...]
    o_ref[...] = agg * dinv + b_ref[...]


_deg_spec = pl.BlockSpec((NC, BR, DEG_W), lambda i: (0, i, 0))
_rows_spec = pl.BlockSpec((BR, D), lambda i: (i, 0))
_p_spec = pl.BlockSpec((NC, BR, D), lambda i: (0, i, 0))
_w_spec = pl.BlockSpec((D, D), lambda i: (0, 0))
_b_spec = pl.BlockSpec((1, D), lambda i: (0, 0))
_GRID = (NP // BR,)
_ROWS_OUT = jax.ShapeDtypeStruct((NP, D), jnp.float32)

_tc_prescale = pl.pallas_call(
    _tc_prescale_body, grid=_GRID,
    in_specs=[_deg_spec, _rows_spec, _w_spec],
    out_specs=_rows_spec, out_shape=_ROWS_OUT)

_tc_mid = pl.pallas_call(
    _tc_mid_body, grid=_GRID,
    in_specs=[_deg_spec, _p_spec, _rows_spec, _b_spec, _w_spec],
    out_specs=_rows_spec, out_shape=_ROWS_OUT)

_tc_final = pl.pallas_call(
    _tc_final_body, grid=_GRID,
    in_specs=[_deg_spec, _p_spec, _rows_spec, _b_spec],
    out_specs=_rows_spec, out_shape=_ROWS_OUT)


def kernel(x, edge_index, W1, b1, W2, b2):
    src = edge_index[0].astype(jnp.int32)
    dst = edge_index[1].astype(jnp.int32)
    b1r = b1.reshape(1, D)
    b2r = b2.reshape(1, D)

    xp = jnp.pad(x, ((0, NP - N), (0, 0)))
    degp = _sc_degree(dst.reshape(NW, NCHUNK, CH))
    y1 = _tc_prescale(degp, xp, W1)
    p1 = _sc_scatter(y1, src, dst)
    y2 = _tc_mid(degp, p1, y1, b1r, W2)
    p2 = _sc_scatter(y2, src, dst)
    out = _tc_final(degp, p2, y2, b2r)
    return out[:N, None, :]

# --- scband reference (transcript-rebuilt; emitter-appended) ---
"""Pipeline reference for scband-static-gnn-32847909879995 (READ-ONLY COPY).

The authoritative reference and input builder live on the scoring server;
editing this copy changes nothing except your own understanding.
"""

import jax, jax.numpy as jnp
import numpy as np

N = 10000
D_FEAT = 128
HIDDEN = 128
E = 320000


def gcn_conv(x, W, b, src, dst, n_nodes):
    # PyG GCNConv: linear transform, add self-loops, symmetric normalization, scatter-add aggregate, bias
    x = x @ W
    loop = jnp.arange(n_nodes, dtype=src.dtype)
    src2 = jnp.concatenate([src, loop])
    dst2 = jnp.concatenate([dst, loop])
    deg = jnp.zeros((n_nodes,), dtype=x.dtype).at[dst2].add(1.0)
    dinv = jnp.where(deg > 0, 1.0 / jnp.sqrt(deg), 0.0)
    norm = dinv[src2] * dinv[dst2]
    msg = x[src2] * norm[:, None]
    out = jnp.zeros((n_nodes, x.shape[1]), dtype=x.dtype).at[dst2].add(msg)
    return out + b


def setup_inputs(seed: int = 0) -> dict:
    key = jax.random.key(seed)
    k1, k2, k3, k4 = jax.random.split(key, 4)
    x = jax.random.normal(k1, (N, D_FEAT), dtype=jnp.float32)
    edge_index = jax.random.randint(k2, (2, E), 0, N, dtype=jnp.int64 if jax.config.jax_enable_x64 else jnp.int32)
    # GCN with num_layers=2: GCNConv(in=128, hidden=128) -> ReLU -> GCNConv(128, out=128)
    W1 = jax.random.normal(k3, (D_FEAT, HIDDEN), dtype=jnp.float32) * (1.0 / np.sqrt(D_FEAT))
    b1 = jnp.zeros((HIDDEN,), dtype=jnp.float32)
    W2 = jax.random.normal(k4, (HIDDEN, HIDDEN), dtype=jnp.float32) * (1.0 / np.sqrt(HIDDEN))
    b2 = jnp.zeros((HIDDEN,), dtype=jnp.float32)
    return {"x": x, "edge_index": edge_index, "W1": W1, "b1": b1, "W2": W2, "b2": b2}


def reference(x, edge_index, W1, b1, W2, b2):
    # StaticGNN.forward with a single snapshot (T=1), undirected=False, model=GCN(layers=2)
    src = edge_index[0]
    dst = edge_index[1]
    h = gcn_conv(x, W1, b1, src, dst, N)
    h = jax.nn.relu(h)
    h = gcn_conv(h, W2, b2, src, dst, N)
    # torch.stack(output, dim=1) over T=1 snapshots -> [N, 1, hidden]
    return jnp.stack([h], axis=1)

if __name__ == "__main__":
    import jax
    _d = setup_inputs()
    print(jax.jit(kernel)(*tuple(_d.values())))

</pallas_src>

<mosaic_0001>
#map = affine_map<(d0, d1) -> (0, 0)>
#map1 = affine_map<(d0, d1) -> (0)>
#map2 = affine_map<(d0, d1) -> (0, 0, 0)>
module attributes {stable_mosaic.version = 14 : i64} {
  func.func @_sc_scatter(%arg0: i32, %arg1: i32, %arg2: memref<10240x128xf32, #tpu.memory_space<hbm>>, %arg3: memref<320000xi32, #tpu.memory_space<hbm>>, %arg4: memref<320000xi32, #tpu.memory_space<hbm>>, %arg5: memref<2x10240x128xf32, #tpu.memory_space<hbm>>, %arg6: memref<10240x128xf32, #tpu.memory_space<vmem_shared>>, %arg7: memref<128x128xf32, #tpu.memory_space<vmem>>, %arg8: memref<128x128xf32, #tpu.memory_space<vmem>>, %arg9: memref<128xi32, #tpu.memory_space<vmem>>, %arg10: memref<128xi32, #tpu.memory_space<vmem>>, %arg11: memref<128xi32, #tpu.memory_space<vmem>>, %arg12: memref<128xi32, #tpu.memory_space<vmem>>, %arg13: memref<16x128xf32, #tpu.memory_space<vmem>>, %arg14: memref<16xi32, #tpu.memory_space<vmem>>, %arg15: memref<16xi32, #tpu.memory_space<vmem>>, %arg16: memref<!tpu.dma_semaphore, #tpu.memory_space<semaphore_mem>>, %arg17: memref<!tpu.dma_semaphore, #tpu.memory_space<semaphore_mem>>, %arg18: memref<!tpu.dma_semaphore, #tpu.memory_space<semaphore_mem>>) attributes {dimension_semantics = [#tpu.dimension_semantics<core_parallel>, #tpu.dimension_semantics<subcore_parallel>], iteration_bounds = array<i64: 2, 16>, scalar_prefetch = 0 : i64, scratch_operands = 13 : i64, tpu.core_type = #tpu.core_type<sc_vector_subcore>, window_params = [{transform_indices = #map}, {transform_indices = #map1}, {transform_indices = #map1}, {transform_indices = #map2}]} {
    %mul3A = arith.constant 2 : i32
    %mul3A_0 = arith.muli %arg1, %mul3A : i32
    %add3A = arith.addi %mul3A_0, %arg0 : i32
    %mul3A_1 = arith.constant 10000 : i32
    %mul3A_2 = arith.muli %add3A, %mul3A_1 : i32
    %mul3A_3 = arith.constant 640 : i32
    %mul3A_4 = arith.muli %arg1, %mul3A_3 : i32
    "tpu.region"() ({
      %run_scoped3A = tpu.sem_alloc : memref<!tpu.dma_semaphore, #tpu.memory_space<semaphore_mem>>
      %dma_start3A_17 = arith.constant 0 : i32
      %dma_start3A_18 = tpu.memref_slice %arg6[%mul3A_4, %dma_start3A_17] : memref<10240x128xf32, #tpu.memory_space<vmem_shared>> -> memref<640x128xf32, #tpu.memory_space<vmem_shared>>
      %dma_start3A_19 = arith.constant 0 : i32
      %dma_start3A_20 = tpu.memref_slice %arg2[%mul3A_4, %dma_start3A_19] : memref<10240x128xf32, #tpu.memory_space<hbm>> -> memref<640x128xf32, #tpu.memory_space<hbm>>
      tpu.enqueue_dma source(%dma_start3A_20 : memref<640x128xf32, #tpu.memory_space<hbm>>) target(%dma_start3A_18 : memref<640x128xf32, #tpu.memory_space<vmem_shared>>) target_semaphore(%run_scoped3A : memref<!tpu.dma_semaphore, #tpu.memory_space<semaphore_mem>>)
      %dma_wait3A_21 = arith.constant 0 : i32
      %dma_wait3A_22 = tpu.memref_slice %arg6[%mul3A_4, %dma_wait3A_21] : memref<10240x128xf32, #tpu.memory_space<vmem_shared>> -> memref<640x128xf32, #tpu.memory_space<vmem_shared>>
      %dma_wait3A_23 = arith.constant 0 : i32
      %dma_wait3A_24 = tpu.memref_slice %arg2[%mul3A_4, %dma_wait3A_23] : memref<10240x128xf32, #tpu.memory_space<hbm>> -> memref<640x128xf32, #tpu.memory_space<hbm>>
      tpu.wait_dma2 semaphore(%run_scoped3A : memref<!tpu.dma_semaphore, #tpu.memory_space<semaphore_mem>>) src(%dma_wait3A_24 : memref<640x128xf32, #tpu.memory_space<hbm>>) dst(%dma_wait3A_22 : memref<640x128xf32, #tpu.memory_space<vmem_shared>>)
      tpu.yield
    }) : () -> ()
    %barrier3A = arith.constant 0 : index
    tpu.barrier barrier_id(%barrier3A)
    %scan3A = arith.constant 0 : i32
    %scan3A_5 = arith.constant 0 : i32
    %scan3A_6 = arith.constant 39 : i32
    %scan3A_7 = arith.addi %scan3A_5, %scan3A_6 : i32
    %scan3A_8 = arith.constant 1 : i32
    scf.for %scan3A_17 = %scan3A_5 to %scan3A_7 step %scan3A_8  : i32 {
      %mul3A_18 = arith.constant 2 : i32
      %mul3A_19 = arith.muli %scan3A_17, %mul3A_18 : i32
      %add3A_20 = arith.constant 0 : i32
      %add3A_21 = arith.addi %mul3A_19, %add3A_20 : i32
      %mul3A_22 = arith.constant 128 : i32
      %mul3A_23 = arith.muli %add3A_21, %mul3A_22 : i32
      %add3A_24 = arith.addi %mul3A_2, %mul3A_23 : i32
      %dma_start3A_25 = tpu.memref_slice %arg3[%add3A_24] : memref<320000xi32, #tpu.memory_space<hbm>> -> memref<128xi32, #tpu.memory_space<hbm>>
      %dma_start3A_26 = tpu.memref_slice %arg3[%add3A_24] : memref<320000xi32, #tpu.memory_space<hbm>> -> memref<128xi32, #tpu.memory_space<hbm>>
      tpu.enqueue_dma source(%dma_start3A_26 : memref<128xi32, #tpu.memory_space<hbm>>) target(%arg9 : memref<128xi32, #tpu.memory_space<vmem>>) target_semaphore(%arg16 : memref<!tpu.dma_semaphore, #tpu.memory_space<semaphore_mem>>)
      %dma_start3A_27 = tpu.memref_slice %arg4[%add3A_24] : memref<320000xi32, #tpu.memory_space<hbm>> -> memref<128xi32, #tpu.memory_space<hbm>>
      %dma_start3A_28 = tpu.memref_slice %arg4[%add3A_24] : memref<320000xi32, #tpu.memory_space<hbm>> -> memref<128xi32, #tpu.memory_space<hbm>>
      tpu.enqueue_dma source(%dma_start3A_28 : memref<128xi32, #tpu.memory_space<hbm>>) target(%arg11 : memref<128xi32, #tpu.memory_space<vmem>>) target_semaphore(%arg16 : memref<!tpu.dma_semaphore, #tpu.memory_space<semaphore_mem>>)
      %add3A_29 = arith.constant 1 : i32
      %add3A_30 = arith.addi %mul3A_19, %add3A_29 : i32
      %mul3A_31 = arith.constant 128 : i32
      %mul3A_32 = arith.muli %add3A_30, %mul3A_31 : i32
      %add3A_33 = arith.addi %mul3A_2, %mul3A_32 : i32
      %dma_start3A_34 = tpu.memref_slice %arg3[%add3A_33] : memref<320000xi32, #tpu.memory_space<hbm>> -> memref<128xi32, #tpu.memory_space<hbm>>
      %dma_start3A_35 = tpu.memref_slice %arg3[%add3A_33] : memref<320000xi32, #tpu.memory_space<hbm>> -> memref<128xi32, #tpu.memory_space<hbm>>
      tpu.enqueue_dma source(%dma_start3A_35 : memref<128xi32, #tpu.memory_space<hbm>>) target(%arg10 : memref<128xi32, #tpu.memory_space<vmem>>) target_semaphore(%arg16 : memref<!tpu.dma_semaphore, #tpu.memory_space<semaphore_mem>>)
      %dma_start3A_36 = tpu.memref_slice %arg4[%add3A_33] : memref<320000xi32, #tpu.memory_space<hbm>> -> memref<128xi32, #tpu.memory_space<hbm>>
      %dma_start3A_37 = tpu.memref_slice %arg4[%add3A_33] : memref<320000xi32, #tpu.memory_space<hbm>> -> memref<128xi32, #tpu.memory_space<hbm>>
      tpu.enqueue_dma source(%dma_start3A_37 : memref<128xi32, #tpu.memory_space<hbm>>) target(%arg12 : memref<128xi32, #tpu.memory_space<vmem>>) target_semaphore(%arg16 : memref<!tpu.dma_semaphore, #tpu.memory_space<semaphore_mem>>)
      %dma_wait3A_38 = tpu.memref_slice %arg3[%add3A_24] : memref<320000xi32, #tpu.memory_space<hbm>> -> memref<128xi32, #tpu.memory_space<hbm>>
      %dma_wait3A_39 = tpu.memref_slice %arg3[%add3A_24] : memref<320000xi32, #tpu.memory_space<hbm>> -> memref<128xi32, #tpu.memory_space<hbm>>
      tpu.wait_dma2 semaphore(%arg16 : memref<!tpu.dma_semaphore, #tpu.memory_space<semaphore_mem>>) src(%dma_wait3A_39 : memref<128xi32, #tpu.memory_space<hbm>>) dst(%arg9 : memref<128xi32, #tpu.memory_space<vmem>>)
      %dma_start3A_40 = arith.constant 0 : i32
      %dma_start3A_41 = arith.constant 0 : i32
      %dma_start3A_42 = tpu.memref_slice %arg2[%dma_start3A_40, %dma_start3A_41] : memref<10240x128xf32, #tpu.memory_space<hbm>> -> memref<10240x128xf32, #tpu.memory_space<hbm>>
      tpu.enqueue_indirect_dma source(%dma_start3A_42 : memref<10240x128xf32, #tpu.memory_space<hbm>>) target(%arg7 : memref<128x128xf32, #tpu.memory_space<vmem>>) offsets(%arg9 : memref<128xi32, #tpu.memory_space<vmem>>) semaphore(%arg17 : memref<!tpu.dma_semaphore, #tpu.memory_space<semaphore_mem>>)
      %dma_wait3A_43 = tpu.memref_slice %arg3[%add3A_33] : memref<320000xi32, #tpu.memory_space<hbm>> -> memref<128xi32, #tpu.memory_space<hbm>>
      %dma_wait3A_44 = tpu.memref_slice %arg3[%add3A_33] : memref<320000xi32, #tpu.memory_space<hbm>> -> memref<128xi32, #tpu.memory_space<hbm>>
      tpu.wait_dma2 semaphore(%arg16 : memref<!tpu.dma_semaphore, #tpu.memory_space<semaphore_mem>>) src(%dma_wait3A_44 : memref<128xi32, #tpu.memory_space<hbm>>) dst(%arg10 : memref<128xi32, #tpu.memory_space<vmem>>)
      %dma_start3A_45 = arith.constant 0 : i32
      %dma_start3A_46 = arith.constant 0 : i32
      %dma_start3A_47 = tpu.memref_slice %arg2[%dma_start3A_45, %dma_start3A_46] : memref<10240x128xf32, #tpu.memory_space<hbm>> -> memref<10240x128xf32, #tpu.memory_space<hbm>>
      tpu.enqueue_indirect_dma source(%dma_start3A_47 : memref<10240x128xf32, #tpu.memory_space<hbm>>) target(%arg8 : memref<128x128xf32, #tpu.memory_space<vmem>>) offsets(%arg10 : memref<128xi32, #tpu.memory_space<vmem>>) semaphore(%arg17 : memref<!tpu.dma_semaphore, #tpu.memory_space<semaphore_mem>>)
      %dma_wait3A_48 = arith.constant 0 : i32
      %dma_wait3A_49 = arith.constant 0 : i32
      %dma_wait3A_50 = tpu.memref_slice %arg2[%dma_wait3A_48, %dma_wait3A_49] : memref<10240x128xf32, #tpu.memory_space<hbm>> -> memref<10240x128xf32, #tpu.memory_space<hbm>>
      tpu.wait_indirect_dma semaphore(%arg17 : memref<!tpu.dma_semaphore, #tpu.memory_space<semaphore_mem>>) src(%dma_wait3A_50 : memref<10240x128xf32, #tpu.memory_space<hbm>>) dst(%arg7 : memref<128x128xf32, #tpu.memory_space<vmem>>)
      %dma_wait3A_51 = tpu.memref_slice %arg4[%add3A_24] : memref<320000xi32, #tpu.memory_space<hbm>> -> memref<128xi32, #tpu.memory_space<hbm>>
      %dma_wait3A_52 = tpu.memref_slice %arg4[%add3A_24] : memref<320000xi32, #tpu.memory_space<hbm>> -> memref<128xi32, #tpu.memory_space<hbm>>
      tpu.wait_dma2 semaphore(%arg16 : memref<!tpu.dma_semaphore, #tpu.memory_space<semaphore_mem>>) src(%dma_wait3A_52 : memref<128xi32, #tpu.memory_space<hbm>>) dst(%arg11 : memref<128xi32, #tpu.memory_space<vmem>>)
      %dma_start3A_53 = arith.constant 0 : i32
      %dma_start3A_54 = arith.constant 0 : i32
      %dma_start3A_55 = tpu.memref_slice %arg6[%dma_start3A_53, %dma_start3A_54] : memref<10240x128xf32, #tpu.memory_space<vmem_shared>> -> memref<10240x128xf32, #tpu.memory_space<vmem_shared>>
      tpu.enqueue_indirect_dma source(%arg7 : memref<128x128xf32, #tpu.memory_space<vmem>>) target(%dma_start3A_55 : memref<10240x128xf32, #tpu.memory_space<vmem_shared>>) offsets(%arg11 : memref<128xi32, #tpu.memory_space<vmem>>) semaphore(%arg18 : memref<!tpu.dma_semaphore, #tpu.memory_space<semaphore_mem>>) {add = true}
      %dma_wait3A_56 = arith.constant 0 : i32
      %dma_wait3A_57 = arith.constant 0 : i32
      %dma_wait3A_58 = tpu.memref_slice %arg2[%dma_wait3A_56, %dma_wait3A_57] : memref<10240x128xf32, #tpu.memory_space<hbm>> -> memref<10240x128xf32, #tpu.memory_space<hbm>>
      tpu.wait_indirect_dma semaphore(%arg17 : memref<!tpu.dma_semaphore, #tpu.memory_space<semaphore_mem>>) src(%dma_wait3A_58 : memref<10240x128xf32, #tpu.memory_space<hbm>>) dst(%arg8 : memref<128x128xf32, #tpu.memory_space<vmem>>)
      %dma_wait3A_59 = tpu.memref_slice %arg4[%add3A_33] : memref<320000xi32, #tpu.memory_space<hbm>> -> memref<128xi32, #tpu.memory_space<hbm>>
      %dma_wait3A_60 = tpu.memref_slice %arg4[%add3A_33] : memref<320000xi32, #tpu.memory_space<hbm>> -> memref<128xi32, #tpu.memory_space<hbm>>
      tpu.wait_dma2 semaphore(%arg16 : memref<!tpu.dma_semaphore, #tpu.memory_space<semaphore_mem>>) src(%dma_wait3A_60 : memref<128xi32, #tpu.memory_space<hbm>>) dst(%arg12 : memref<128xi32, #tpu.memory_space<vmem>>)
      %dma_start3A_61 = arith.constant 0 : i32
      %dma_start3A_62 = arith.constant 0 : i32
      %dma_start3A_63 = tpu.memref_slice %arg6[%dma_start3A_61, %dma_start3A_62] : memref<10240x128xf32, #tpu.memory_space<vmem_shared>> -> memref<10240x128xf32, #tpu.memory_space<vmem_shared>>
      tpu.enqueue_indirect_dma source(%arg8 : memref<128x128xf32, #tpu.memory_space<vmem>>) target(%dma_start3A_63 : memref<10240x128xf32, #tpu.memory_space<vmem_shared>>) offsets(%arg12 : memref<128xi32, #tpu.memory_space<vmem>>) semaphore(%arg18 : memref<!tpu.dma_semaphore, #tpu.memory_space<semaphore_mem>>) {add = true}
      %dma_wait3A_64 = arith.constant 0 : i32
      %dma_wait3A_65 = arith.constant 0 : i32
      %dma_wait3A_66 = tpu.memref_slice %arg6[%dma_wait3A_64, %dma_wait3A_65] : memref<10240x128xf32, #tpu.memory_space<vmem_shared>> -> memref<10240x128xf32, #tpu.memory_space<vmem_shared>>
      tpu.wait_indirect_dma semaphore(%arg18 : memref<!tpu.dma_semaphore, #tpu.memory_space<semaphore_mem>>) src(%arg7 : memref<128x128xf32, #tpu.memory_space<vmem>>) dst(%dma_wait3A_66 : memref<10240x128xf32, #tpu.memory_space<vmem_shared>>)
      %dma_wait3A_67 = arith.constant 0 : i32
      %dma_wait3A_68 = arith.constant 0 : i32
      %dma_wait3A_69 = tpu.memref_slice %arg6[%dma_wait3A_67, %dma_wait3A_68] : memref<10240x128xf32, #tpu.memory_space<vmem_shared>> -> memref<10240x128xf32, #tpu.memory_space<vmem_shared>>
      tpu.wait_indirect_dma semaphore(%arg18 : memref<!tpu.dma_semaphore, #tpu.memory_space<semaphore_mem>>) src(%arg8 : memref<128x128xf32, #tpu.memory_space<vmem>>) dst(%dma_wait3A_69 : memref<10240x128xf32, #tpu.memory_space<vmem_shared>>)
    }
    %scan3A_9 = arith.constant 39 : i32
    %add3A_10 = arith.constant 9984 : i32
    %add3A_11 = arith.addi %mul3A_2, %add3A_10 : i32
    "tpu.region"() ({
      %run_scoped3A = tpu.sem_alloc : memref<!tpu.dma_semaphore, #tpu.memory_space<semaphore_mem>>
      %dma_start3A_17 = tpu.memref_slice %arg3[%add3A_11] : memref<320000xi32, #tpu.memory_space<hbm>> -> memref<16xi32, #tpu.memory_space<hbm>>
      %dma_start3A_18 = tpu.memref_slice %arg3[%add3A_11] : memref<320000xi32, #tpu.memory_space<hbm>> -> memref<16xi32, #tpu.memory_space<hbm>>
      tpu.enqueue_dma source(%dma_start3A_18 : memref<16xi32, #tpu.memory_space<hbm>>) target(%arg14 : memref<16xi32, #tpu.memory_space<vmem>>) target_semaphore(%run_scoped3A : memref<!tpu.dma_semaphore, #tpu.memory_space<semaphore_mem>>)
      %dma_wait3A_19 = tpu.memref_slice %arg3[%add3A_11] : memref<320000xi32, #tpu.memory_space<hbm>> -> memref<16xi32, #tpu.memory_space<hbm>>
      %dma_wait3A_20 = tpu.memref_slice %arg3[%add3A_11] : memref<320000xi32, #tpu.memory_space<hbm>> -> memref<16xi32, #tpu.memory_space<hbm>>
      tpu.wait_dma2 semaphore(%run_scoped3A : memref<!tpu.dma_semaphore, #tpu.memory_space<semaphore_mem>>) src(%dma_wait3A_20 : memref<16xi32, #tpu.memory_space<hbm>>) dst(%arg14 : memref<16xi32, #tpu.memory_space<vmem>>)
      tpu.yield
    }) : () -> ()
    "tpu.region"() ({
      %run_scoped3A = tpu.sem_alloc : memref<!tpu.dma_semaphore, #tpu.memory_space<semaphore_mem>>
      %dma_start3A_17 = tpu.memref_slice %arg4[%add3A_11] : memref<320000xi32, #tpu.memory_space<hbm>> -> memref<16xi32, #tpu.memory_space<hbm>>
      %dma_start3A_18 = tpu.memref_slice %arg4[%add3A_11] : memref<320000xi32, #tpu.memory_space<hbm>> -> memref<16xi32, #tpu.memory_space<hbm>>
      tpu.enqueue_dma source(%dma_start3A_18 : memref<16xi32, #tpu.memory_space<hbm>>) target(%arg15 : memref<16xi32, #tpu.memory_space<vmem>>) target_semaphore(%run_scoped3A : memref<!tpu.dma_semaphore, #tpu.memory_space<semaphore_mem>>)
      %dma_wait3A_19 = tpu.memref_slice %arg4[%add3A_11] : memref<320000xi32, #tpu.memory_space<hbm>> -> memref<16xi32, #tpu.memory_space<hbm>>
      %dma_wait3A_20 = tpu.memref_slice %arg4[%add3A_11] : memref<320000xi32, #tpu.memory_space<hbm>> -> memref<16xi32, #tpu.memory_space<hbm>>
      tpu.wait_dma2 semaphore(%run_scoped3A : memref<!tpu.dma_semaphore, #tpu.memory_space<semaphore_mem>>) src(%dma_wait3A_20 : memref<16xi32, #tpu.memory_space<hbm>>) dst(%arg15 : memref<16xi32, #tpu.memory_space<vmem>>)
      tpu.yield
    }) : () -> ()
    %dma_start3A = arith.constant 0 : i32
    %dma_start3A_12 = arith.constant 0 : i32
    %dma_start3A_13 = tpu.memref_slice %arg2[%dma_start3A, %dma_start3A_12] : memref<10240x128xf32, #tpu.memory_space<hbm>> -> memref<10240x128xf32, #tpu.memory_space<hbm>>
    tpu.enqueue_indirect_dma source(%dma_start3A_13 : memref<10240x128xf32, #tpu.memory_space<hbm>>) target(%arg13 : memref<16x128xf32, #tpu.memory_space<vmem>>) offsets(%arg14 : memref<16xi32, #tpu.memory_space<vmem>>) semaphore(%arg17 : memref<!tpu.dma_semaphore, #tpu.memory_space<semaphore_mem>>)
    %dma_wait3A = arith.constant 0 : i32
    %dma_wait3A_14 = arith.constant 0 : i32
    %dma_wait3A_15 = tpu.memref_slice %arg2[%dma_wait3A, %dma_wait3A_14] : memref<10240x128xf32, #tpu.memory_space<hbm>> -> memref<10240x128xf32, #tpu.memory_space<hbm>>
    tpu.wait_indirect_dma semaphore(%arg17 : memref<!tpu.dma_semaphore, #tpu.memory_space<semaphore_mem>>) src(%dma_wait3A_15 : memref<10240x128xf32, #tpu.memory_space<hbm>>) dst(%arg13 : memref<16x128xf32, #tpu.memory_space<vmem>>)
    "tpu.region"() ({
      %run_scoped3A = tpu.sem_alloc : memref<!tpu.dma_semaphore, #tpu.memory_space<semaphore_mem>>
      %dma_start3A_17 = arith.constant 0 : i32
      %dma_start3A_18 = arith.constant 0 : i32
      %dma_start3A_19 = tpu.memref_slice %arg6[%dma_start3A_17, %dma_start3A_18] : memref<10240x128xf32, #tpu.memory_space<vmem_shared>> -> memref<10240x128xf32, #tpu.memory_space<vmem_shared>>
      tpu.enqueue_indirect_dma source(%arg13 : memref<16x128xf32, #tpu.memory_space<vmem>>) target(%dma_start3A_19 : memref<10240x128xf32, #tpu.memory_space<vmem_shared>>) offsets(%arg15 : memref<16xi32, #tpu.memory_space<vmem>>) semaphore(%run_scoped3A : memref<!tpu.dma_semaphore, #tpu.memory_space<semaphore_mem>>) {add = true}
      %dma_wait3A_20 = arith.constant 0 : i32
      %dma_wait3A_21 = arith.constant 0 : i32
      %dma_wait3A_22 = tpu.memref_slice %arg6[%dma_wait3A_20, %dma_wait3A_21] : memref<10240x128xf32, #tpu.memory_space<vmem_shared>> -> memref<10240x128xf32, #tpu.memory_space<vmem_shared>>
      tpu.wait_indirect_dma semaphore(%run_scoped3A : memref<!tpu.dma_semaphore, #tpu.memory_space<semaphore_mem>>) src(%arg13 : memref<16x128xf32, #tpu.memory_space<vmem>>) dst(%dma_wait3A_22 : memref<10240x128xf32, #tpu.memory_space<vmem_shared>>)
      tpu.yield
    }) : () -> ()
    %barrier3A_16 = arith.constant 0 : index
    tpu.barrier barrier_id(%barrier3A_16)
    "tpu.region"() ({
      %run_scoped3A = tpu.sem_alloc : memref<!tpu.dma_semaphore, #tpu.memory_space<semaphore_mem>>
      %dma_start3A_17 = arith.constant 0 : i32
      %dma_start3A_18 = tpu.memref_slice %arg5[%arg0, %mul3A_4, %dma_start3A_17] : memref<2x10240x128xf32, #tpu.memory_space<hbm>> -> memref<1x640x128xf32, #tpu.memory_space<hbm>>
      %dma_start3A_19 = tpu.memref_squeeze %dma_start3A_18 : memref<1x640x128xf32, #tpu.memory_space<hbm>> -> memref<640x128xf32, #tpu.memory_space<hbm>>
      %dma_start3A_20 = arith.constant 0 : i32
      %dma_start3A_21 = tpu.memref_slice %arg6[%mul3A_4, %dma_start3A_20] : memref<10240x128xf32, #tpu.memory_space<vmem_shared>> -> memref<640x128xf32, #tpu.memory_space<vmem_shared>>
      tpu.enqueue_dma source(%dma_start3A_21 : memref<640x128xf32, #tpu.memory_space<vmem_shared>>) target(%dma_start3A_19 : memref<640x128xf32, #tpu.memory_space<hbm>>) target_semaphore(%run_scoped3A : memref<!tpu.dma_semaphore, #tpu.memory_space<semaphore_mem>>)
      %dma_wait3A_22 = arith.constant 0 : i32
      %dma_wait3A_23 = tpu.memref_slice %arg5[%arg0, %mul3A_4, %dma_wait3A_22] : memref<2x10240x128xf32, #tpu.memory_space<hbm>> -> memref<1x640x128xf32, #tpu.memory_space<hbm>>
      %dma_wait3A_24 = tpu.memref_squeeze %dma_wait3A_23 : memref<1x640x128xf32, #tpu.memory_space<hbm>> -> memref<640x128xf32, #tpu.memory_space<hbm>>
      %dma_wait3A_25 = arith.constant 0 : i32
      %dma_wait3A_26 = tpu.memref_slice %arg6[%mul3A_4, %dma_wait3A_25] : memref<10240x128xf32, #tpu.memory_space<vmem_shared>> -> memref<640x128xf32, #tpu.memory_space<vmem_shared>>
      tpu.wait_dma2 semaphore(%run_scoped3A : memref<!tpu.dma_semaphore, #tpu.memory_space<semaphore_mem>>) src(%dma_wait3A_26 : memref<640x128xf32, #tpu.memory_space<vmem_shared>>) dst(%dma_wait3A_24 : memref<640x128xf32, #tpu.memory_space<hbm>>)
      tpu.yield
    }) : () -> ()
    return
  }
}

#map = affine_map<(d0, d1) -> (0, 0, 0)>
module attributes {stable_mosaic.version = 14 : i64} {
  func.func @_sc_degree(%arg0: i32, %arg1: i32, %arg2: memref<32x125x80xi32, #tpu.memory_space<hbm>>, %arg3: memref<2x10240x16xf32, #tpu.memory_space<hbm>>, %arg4: memref<10240x16xf32, #tpu.memory_space<vmem_shared>>, %arg5: memref<640x16xf32, #tpu.memory_space<vmem>>, %arg6: memref<80x16xf32, #tpu.memory_space<vmem>>, %arg7: memref<125x80xi32, #tpu.memory_space<vmem>>, %arg8: memref<!tpu.dma_semaphore, #tpu.memory_space<semaphore_mem>>) attributes {dimension_semantics = [#tpu.dimension_semantics<core_parallel>, #tpu.dimension_semantics<subcore_parallel>], iteration_bounds = array<i64: 2, 16>, scalar_prefetch = 0 : i64, scratch_operands = 5 : i64, tpu.core_type = #tpu.core_type<sc_vector_subcore>, window_params = [{transform_indices = #map}, {transform_indices = #map}]} {
    %mul3A = arith.constant 2 : i32
    %mul3A_0 = arith.muli %arg1, %mul3A : i32
    %add3A = arith.addi %mul3A_0, %arg0 : i32
    %scan3A = arith.constant 0 : i32
    %scan3A_1 = arith.constant 0 : i32
    %scan3A_2 = arith.constant 640 : i32
    %scan3A_3 = arith.addi %scan3A_1, %scan3A_2 : i32
    %scan3A_4 = arith.constant 1 : i32
    scf.for %scan3A_33 = %scan3A_1 to %scan3A_3 step %scan3A_4  : i32 {
      %broadcast_in_dim3A = arith.constant 0.000000e+00 : f32
      %broadcast_in_dim3A_34 = vector.broadcast %broadcast_in_dim3A : f32 to vector<16xf32>
      %swap3A = arith.index_cast %scan3A_33 : i32 to index
      %swap3A_35 = arith.constant 0 : index
      %swap3A_36 = tpu.vector_load %arg5[%swap3A, %swap3A_35] {strides = array<i32>} : memref<640x16xf32, #tpu.memory_space<vmem>>, vector<1x16xf32>,
      %swap3A_37 = vector.shape_cast %swap3A_36 : vector<1x16xf32> to vector<16xf32>
      %swap3A_38 = vector.shape_cast %broadcast_in_dim3A_34 : vector<16xf32> to vector<1x16xf32>
      tpu.vector_store %arg5[%swap3A, %swap3A_35], %swap3A_38 {strides = array<i32>} : memref<640x16xf32, #tpu.memory_space<vmem>>, vector<1x16xf32>,
    }
    %scan3A_5 = arith.constant 640 : i32
    %scan3A_6 = arith.constant 0 : i32
    %scan3A_7 = arith.constant 0 : i32
    %scan3A_8 = arith.constant 80 : i32
    %scan3A_9 = arith.addi %scan3A_7, %scan3A_8 : i32
    %scan3A_10 = arith.constant 1 : i32
    scf.for %scan3A_33 = %scan3A_7 to %scan3A_9 step %scan3A_10  : i32 {
      %broadcast_in_dim3A = arith.constant 1.000000e+00 : f32
      %broadcast_in_dim3A_34 = vector.broadcast %broadcast_in_dim3A : f32 to vector<16xf32>
      %swap3A = arith.index_cast %scan3A_33 : i32 to index
      %swap3A_35 = arith.constant 0 : index
      %swap3A_36 = tpu.vector_load %arg6[%swap3A, %swap3A_35] {strides = array<i32>} : memref<80x16xf32, #tpu.memory_space<vmem>>, vector<1x16xf32>,
      %swap3A_37 = vector.shape_cast %swap3A_36 : vector<1x16xf32> to vector<16xf32>
      %swap3A_38 = vector.shape_cast %broadcast_in_dim3A_34 : vector<16xf32> to vector<1x16xf32>
      tpu.vector_store %arg6[%swap3A, %swap3A_35], %swap3A_38 {strides = array<i32>} : memref<80x16xf32, #tpu.memory_space<vmem>>, vector<1x16xf32>,
    }
    %scan3A_11 = arith.constant 80 : i32
    "tpu.region"() ({
      %run_scoped3A = tpu.sem_alloc : memref<!tpu.dma_semaphore, #tpu.memory_space<semaphore_mem>>
      %dma_start3A_33 = arith.constant 0 : i32
      %dma_start3A_34 = arith.constant 0 : i32
      %dma_start3A_35 = tpu.memref_slice %arg2[%add3A, %dma_start3A_33, %dma_start3A_34] : memref<32x125x80xi32, #tpu.memory_space<hbm>> -> memref<1x125x80xi32, #tpu.memory_space<hbm>>
      %dma_start3A_36 = tpu.memref_squeeze %dma_start3A_35 : memref<1x125x80xi32, #tpu.memory_space<hbm>> -> memref<125x80xi32, #tpu.memory_space<hbm>>
      %dma_start3A_37 = arith.constant 0 : i32
      %dma_start3A_38 = arith.constant 0 : i32
      %dma_start3A_39 = tpu.memref_slice %arg2[%add3A, %dma_start3A_37, %dma_start3A_38] : memref<32x125x80xi32, #tpu.memory_space<hbm>> -> memref<1x125x80xi32, #tpu.memory_space<hbm>>
      %dma_start3A_40 = tpu.memref_squeeze %dma_start3A_39 : memref<1x125x80xi32, #tpu.memory_space<hbm>> -> memref<125x80xi32, #tpu.memory_space<hbm>>
      tpu.enqueue_dma source(%dma_start3A_40 : memref<125x80xi32, #tpu.memory_space<hbm>>) target(%arg7 : memref<125x80xi32, #tpu.memory_space<vmem>>) target_semaphore(%run_scoped3A : memref<!tpu.dma_semaphore, #tpu.memory_space<semaphore_mem>>)
      %dma_wait3A_41 = arith.constant 0 : i32
      %dma_wait3A_42 = arith.constant 0 : i32
      %dma_wait3A_43 = tpu.memref_slice %arg2[%add3A, %dma_wait3A_41, %dma_wait3A_42] : memref<32x125x80xi32, #tpu.memory_space<hbm>> -> memref<1x125x80xi32, #tpu.memory_space<hbm>>
      %dma_wait3A_44 = tpu.memref_squeeze %dma_wait3A_43 : memref<1x125x80xi32, #tpu.memory_space<hbm>> -> memref<125x80xi32, #tpu.memory_space<hbm>>
      %dma_wait3A_45 = arith.constant 0 : i32
      %dma_wait3A_46 = arith.constant 0 : i32
      %dma_wait3A_47 = tpu.memref_slice %arg2[%add3A, %dma_wait3A_45, %dma_wait3A_46] : memref<32x125x80xi32, #tpu.memory_space<hbm>> -> memref<1x125x80xi32, #tpu.memory_space<hbm>>
      %dma_wait3A_48 = tpu.memref_squeeze %dma_wait3A_47 : memref<1x125x80xi32, #tpu.memory_space<hbm>> -> memref<125x80xi32, #tpu.memory_space<hbm>>
      tpu.wait_dma2 semaphore(%run_scoped3A : memref<!tpu.dma_semaphore, #tpu.memory_space<semaphore_mem>>) src(%dma_wait3A_48 : memref<125x80xi32, #tpu.memory_space<hbm>>) dst(%arg7 : memref<125x80xi32, #tpu.memory_space<vmem>>)
      tpu.yield
    }) : () -> ()
    %mul3A_12 = arith.constant 640 : i32
    %mul3A_13 = arith.muli %arg1, %mul3A_12 : i32
    "tpu.region"() ({
      %run_scoped3A = tpu.sem_alloc : memref<!tpu.dma_semaphore, #tpu.memory_space<semaphore_mem>>
      %dma_start3A_33 = arith.constant 0 : i32
      %dma_start3A_34 = tpu.memref_slice %arg4[%mul3A_13, %dma_start3A_33] : memref<10240x16xf32, #tpu.memory_space<vmem_shared>> -> memref<640x16xf32, #tpu.memory_space<vmem_shared>>
      %dma_start3A_35 = arith.constant 0 : i32
      %dma_start3A_36 = tpu.memref_slice %arg4[%mul3A_13, %dma_start3A_35] : memref<10240x16xf32, #tpu.memory_space<vmem_shared>> -> memref<640x16xf32, #tpu.memory_space<vmem_shared>>
      tpu.enqueue_dma source(%arg5 : memref<640x16xf32, #tpu.memory_space<vmem>>) target(%dma_start3A_36 : memref<640x16xf32, #tpu.memory_space<vmem_shared>>) target_semaphore(%run_scoped3A : memref<!tpu.dma_semaphore, #tpu.memory_space<semaphore_mem>>)
      %dma_wait3A_37 = arith.constant 0 : i32
      %dma_wait3A_38 = tpu.memref_slice %arg4[%mul3A_13, %dma_wait3A_37] : memref<10240x16xf32, #tpu.memory_space<vmem_shared>> -> memref<640x16xf32, #tpu.memory_space<vmem_shared>>
      %dma_wait3A_39 = arith.constant 0 : i32
      %dma_wait3A_40 = tpu.memref_slice %arg4[%mul3A_13, %dma_wait3A_39] : memref<10240x16xf32, #tpu.memory_space<vmem_shared>> -> memref<640x16xf32, #tpu.memory_space<vmem_shared>>
      tpu.wait_dma2 semaphore(%run_scoped3A : memref<!tpu.dma_semaphore, #tpu.memory_space<semaphore_mem>>) src(%arg5 : memref<640x16xf32, #tpu.memory_space<vmem>>) dst(%dma_wait3A_40 : memref<640x16xf32, #tpu.memory_space<vmem_shared>>)
      tpu.yield
    }) : () -> ()
    %barrier3A = arith.constant 0 : index
    tpu.barrier barrier_id(%barrier3A)
    %scan3A_14 = arith.constant 0 : i32
    %scan3A_15 = arith.constant 0 : i32
    %scan3A_16 = arith.constant 31 : i32
    %scan3A_17 = arith.addi %scan3A_15, %scan3A_16 : i32
    %scan3A_18 = arith.constant 1 : i32
    scf.for %scan3A_33 = %scan3A_15 to %scan3A_17 step %scan3A_18  : i32 {
      %mul3A_34 = arith.constant 4 : i32
      %mul3A_35 = arith.muli %scan3A_33, %mul3A_34 : i32
      %add3A_36 = arith.constant 0 : i32
      %add3A_37 = arith.addi %mul3A_35, %add3A_36 : i32
      %dma_start3A_38 = arith.constant 0 : i32
      %dma_start3A_39 = tpu.memref_slice %arg7[%add3A_37, %dma_start3A_38] : memref<125x80xi32, #tpu.memory_space<vmem>> -> memref<1x80xi32, #tpu.memory_space<vmem>>
      %dma_start3A_40 = tpu.memref_squeeze %dma_start3A_39 : memref<1x80xi32, #tpu.memory_space<vmem>> -> memref<80xi32, #tpu.memory_space<vmem>>
      %dma_start3A_41 = arith.constant 0 : i32
      %dma_start3A_42 = arith.constant 0 : i32
      %dma_start3A_43 = tpu.memref_slice %arg4[%dma_start3A_41, %dma_start3A_42] : memref<10240x16xf32, #tpu.memory_space<vmem_shared>> -> memref<10240x16xf32, #tpu.memory_space<vmem_shared>>
      tpu.enqueue_indirect_dma source(%arg6 : memref<80x16xf32, #tpu.memory_space<vmem>>) target(%dma_start3A_43 : memref<10240x16xf32, #tpu.memory_space<vmem_shared>>) offsets(%dma_start3A_40 : memref<80xi32, #tpu.memory_space<vmem>>) semaphore(%arg8 : memref<!tpu.dma_semaphore, #tpu.memory_space<semaphore_mem>>) {add = true}
      %mul3A_44 = arith.constant 4 : i32
      %mul3A_45 = arith.muli %scan3A_33, %mul3A_44 : i32
      %add3A_46 = arith.constant 1 : i32
      %add3A_47 = arith.addi %mul3A_45, %add3A_46 : i32
      %dma_start3A_48 = arith.constant 0 : i32
      %dma_start3A_49 = tpu.memref_slice %arg7[%add3A_47, %dma_start3A_48] : memref<125x80xi32, #tpu.memory_space<vmem>> -> memref<1x80xi32, #tpu.memory_space<vmem>>
      %dma_start3A_50 = tpu.memref_squeeze %dma_start3A_49 : memref<1x80xi32, #tpu.memory_space<vmem>> -> memref<80xi32, #tpu.memory_space<vmem>>
      %dma_start3A_51 = arith.constant 0 : i32
      %dma_start3A_52 = arith.constant 0 : i32
      %dma_start3A_53 = tpu.memref_slice %arg4[%dma_start3A_51, %dma_start3A_52] : memref<10240x16xf32, #tpu.memory_space<vmem_shared>> -> memref<10240x16xf32, #tpu.memory_space<vmem_shared>>
      tpu.enqueue_indirect_dma source(%arg6 : memref<80x16xf32, #tpu.memory_space<vmem>>) target(%dma_start3A_53 : memref<10240x16xf32, #tpu.memory_space<vmem_shared>>) offsets(%dma_start3A_50 : memref<80xi32, #tpu.memory_space<vmem>>) semaphore(%arg8 : memref<!tpu.dma_semaphore, #tpu.memory_space<semaphore_mem>>) {add = true}
      %mul3A_54 = arith.constant 4 : i32
      %mul3A_55 = arith.muli %scan3A_33, %mul3A_54 : i32
      %add3A_56 = arith.constant 2 : i32
      %add3A_57 = arith.addi %mul3A_55, %add3A_56 : i32
      %dma_start3A_58 = arith.constant 0 : i32
      %dma_start3A_59 = tpu.memref_slice %arg7[%add3A_57, %dma_start3A_58] : memref<125x80xi32, #tpu.memory_space<vmem>> -> memref<1x80xi32, #tpu.memory_space<vmem>>
      %dma_start3A_60 = tpu.memref_squeeze %dma_start3A_59 : memref<1x80xi32, #tpu.memory_space<vmem>> -> memref<80xi32, #tpu.memory_space<vmem>>
      %dma_start3A_61 = arith.constant 0 : i32
      %dma_start3A_62 = arith.constant 0 : i32
      %dma_start3A_63 = tpu.memref_slice %arg4[%dma_start3A_61, %dma_start3A_62] : memref<10240x16xf32, #tpu.memory_space<vmem_shared>> -> memref<10240x16xf32, #tpu.memory_space<vmem_shared>>
      tpu.enqueue_indirect_dma source(%arg6 : memref<80x16xf32, #tpu.memory_space<vmem>>) target(%dma_start3A_63 : memref<10240x16xf32, #tpu.memory_space<vmem_shared>>) offsets(%dma_start3A_60 : memref<80xi32, #tpu.memory_space<vmem>>) semaphore(%arg8 : memref<!tpu.dma_semaphore, #tpu.memory_space<semaphore_mem>>) {add = true}
      %mul3A_64 = arith.constant 4 : i32
      %mul3A_65 = arith.muli %scan3A_33, %mul3A_64 : i32
      %add3A_66 = arith.constant 3 : i32
      %add3A_67 = arith.addi %mul3A_65, %add3A_66 : i32
      %dma_start3A_68 = arith.constant 0 : i32
      %dma_start3A_69 = tpu.memref_slice %arg7[%add3A_67, %dma_start3A_68] : memref<125x80xi32, #tpu.memory_space<vmem>> -> memref<1x80xi32, #tpu.memory_space<vmem>>
      %dma_start3A_70 = tpu.memref_squeeze %dma_start3A_69 : memref<1x80xi32, #tpu.memory_space<vmem>> -> memref<80xi32, #tpu.memory_space<vmem>>
      %dma_start3A_71 = arith.constant 0 : i32
      %dma_start3A_72 = arith.constant 0 : i32
      %dma_start3A_73 = tpu.memref_slice %arg4[%dma_start3A_71, %dma_start3A_72] : memref<10240x16xf32, #tpu.memory_space<vmem_shared>> -> memref<10240x16xf32, #tpu.memory_space<vmem_shared>>
      tpu.enqueue_indirect_dma source(%arg6 : memref<80x16xf32, #tpu.memory_space<vmem>>) target(%dma_start3A_73 : memref<10240x16xf32, #tpu.memory_space<vmem_shared>>) offsets(%dma_start3A_70 : memref<80xi32, #tpu.memory_space<vmem>>) semaphore(%arg8 : memref<!tpu.dma_semaphore, #tpu.memory_space<semaphore_mem>>) {add = true}
      %dma_wait3A_74 = arith.constant 0 : i32
      %dma_wait3A_75 = tpu.memref_slice %arg7[%add3A_37, %dma_wait3A_74] : memref<125x80xi32, #tpu.memory_space<vmem>> -> memref<1x80xi32, #tpu.memory_space<vmem>>
      %dma_wait3A_76 = tpu.memref_squeeze %dma_wait3A_75 : memref<1x80xi32, #tpu.memory_space<vmem>> -> memref<80xi32, #tpu.memory_space<vmem>>
      %dma_wait3A_77 = arith.constant 0 : i32
      %dma_wait3A_78 = arith.constant 0 : i32
      %dma_wait3A_79 = tpu.memref_slice %arg4[%dma_wait3A_77, %dma_wait3A_78] : memref<10240x16xf32, #tpu.memory_space<vmem_shared>> -> memref<10240x16xf32, #tpu.memory_space<vmem_shared>>
      tpu.wait_indirect_dma semaphore(%arg8 : memref<!tpu.dma_semaphore, #tpu.memory_space<semaphore_mem>>) src(%arg6 : memref<80x16xf32, #tpu.memory_space<vmem>>) dst(%dma_wait3A_79 : memref<10240x16xf32, #tpu.memory_space<vmem_shared>>)
      %dma_wait3A_80 = arith.constant 0 : i32
      %dma_wait3A_81 = tpu.memref_slice %arg7[%add3A_47, %dma_wait3A_80] : memref<125x80xi32, #tpu.memory_space<vmem>> -> memref<1x80xi32, #tpu.memory_space<vmem>>
      %dma_wait3A_82 = tpu.memref_squeeze %dma_wait3A_81 : memref<1x80xi32, #tpu.memory_space<vmem>> -> memref<80xi32, #tpu.memory_space<vmem>>
      %dma_wait3A_83 = arith.constant 0 : i32
      %dma_wait3A_84 = arith.constant 0 : i32
      %dma_wait3A_85 = tpu.memref_slice %arg4[%dma_wait3A_83, %dma_wait3A_84] : memref<10240x16xf32, #tpu.memory_space<vmem_shared>> -> memref<10240x16xf32, #tpu.memory_space<vmem_shared>>
      tpu.wait_indirect_dma semaphore(%arg8 : memref<!tpu.dma_semaphore, #tpu.memory_space<semaphore_mem>>) src(%arg6 : memref<80x16xf32, #tpu.memory_space<vmem>>) dst(%dma_wait3A_85 : memref<10240x16xf32, #tpu.memory_space<vmem_shared>>)
      %dma_wait3A_86 = arith.constant 0 : i32
      %dma_wait3A_87 = tpu.memref_slice %arg7[%add3A_57, %dma_wait3A_86] : memref<125x80xi32, #tpu.memory_space<vmem>> -> memref<1x80xi32, #tpu.memory_space<vmem>>
      %dma_wait3A_88 = tpu.memref_squeeze %dma_wait3A_87 : memref<1x80xi32, #tpu.memory_space<vmem>> -> memref<80xi32, #tpu.memory_space<vmem>>
      %dma_wait3A_89 = arith.constant 0 : i32
      %dma_wait3A_90 = arith.constant 0 : i32
      %dma_wait3A_91 = tpu.memref_slice %arg4[%dma_wait3A_89, %dma_wait3A_90] : memref<10240x16xf32, #tpu.memory_space<vmem_shared>> -> memref<10240x16xf32, #tpu.memory_space<vmem_shared>>
      tpu.wait_indirect_dma semaphore(%arg8 : memref<!tpu.dma_semaphore, #tpu.memory_space<semaphore_mem>>) src(%arg6 : memref<80x16xf32, #tpu.memory_space<vmem>>) dst(%dma_wait3A_91 : memref<10240x16xf32, #tpu.memory_space<vmem_shared>>)
      %dma_wait3A_92 = arith.constant 0 : i32
      %dma_wait3A_93 = tpu.memref_slice %arg7[%add3A_67, %dma_wait3A_92] : memref<125x80xi32, #tpu.memory_space<vmem>> -> memref<1x80xi32, #tpu.memory_space<vmem>>
      %dma_wait3A_94 = tpu.memref_squeeze %dma_wait3A_93 : memref<1x80xi32, #tpu.memory_space<vmem>> -> memref<80xi32, #tpu.memory_space<vmem>>
      %dma_wait3A_95 = arith.constant 0 : i32
      %dma_wait3A_96 = arith.constant 0 : i32
      %dma_wait3A_97 = tpu.memref_slice %arg4[%dma_wait3A_95, %dma_wait3A_96] : memref<10240x16xf32, #tpu.memory_space<vmem_shared>> -> memref<10240x16xf32, #tpu.memory_space<vmem_shared>>
      tpu.wait_indirect_dma semaphore(%arg8 : memref<!tpu.dma_semaphore, #tpu.memory_space<semaphore_mem>>) src(%arg6 : memref<80x16xf32, #tpu.memory_space<vmem>>) dst(%dma_wait3A_97 : memref<10240x16xf32, #tpu.memory_space<vmem_shared>>)
    }
    %scan3A_19 = arith.constant 31 : i32
    %dma_start3A = arith.constant 124 : i32
    %dma_start3A_20 = arith.constant 0 : i32
    %dma_start3A_21 = tpu.memref_slice %arg7[%dma_start3A, %dma_start3A_20] : memref<125x80xi32, #tpu.memory_space<vmem>> -> memref<1x80xi32, #tpu.memory_space<vmem>>
    %dma_start3A_22 = tpu.memref_squeeze %dma_start3A_21 : memref<1x80xi32, #tpu.memory_space<vmem>> -> memref<80xi32, #tpu.memory_space<vmem>>
    %dma_start3A_23 = arith.constant 0 : i32
    %dma_start3A_24 = arith.constant 0 : i32
    %dma_start3A_25 = tpu.memref_slice %arg4[%dma_start3A_23, %dma_start3A_24] : memref<10240x16xf32, #tpu.memory_space<vmem_shared>> -> memref<10240x16xf32, #tpu.memory_space<vmem_shared>>
    tpu.enqueue_indirect_dma source(%arg6 : memref<80x16xf32, #tpu.memory_space<vmem>>) target(%dma_start3A_25 : memref<10240x16xf32, #tpu.memory_space<vmem_shared>>) offsets(%dma_start3A_22 : memref<80xi32, #tpu.memory_space<vmem>>) semaphore(%arg8 : memref<!tpu.dma_semaphore, #tpu.memory_space<semaphore_mem>>) {add = true}
    %dma_wait3A = arith.constant 124 : i32
    %dma_wait3A_26 = arith.constant 0 : i32
    %dma_wait3A_27 = tpu.memref_slice %arg7[%dma_wait3A, %dma_wait3A_26] : memref<125x80xi32, #tpu.memory_space<vmem>> -> memref<1x80xi32, #tpu.memory_space<vmem>>
    %dma_wait3A_28 = tpu.memref_squeeze %dma_wait3A_27 : memref<1x80xi32, #tpu.memory_space<vmem>> -> memref<80xi32, #tpu.memory_space<vmem>>
    %dma_wait3A_29 = arith.constant 0 : i32
    %dma_wait3A_30 = arith.constant 0 : i32
    %dma_wait3A_31 = tpu.memref_slice %arg4[%dma_wait3A_29, %dma_wait3A_30] : memref<10240x16xf32, #tpu.memory_space<vmem_shared>> -> memref<10240x16xf32, #tpu.memory_space<vmem_shared>>
    tpu.wait_indirect_dma semaphore(%arg8 : memref<!tpu.dma_semaphore, #tpu.memory_space<semaphore_mem>>) src(%arg6 : memref<80x16xf32, #tpu.memory_space<vmem>>) dst(%dma_wait3A_31 : memref<10240x16xf32, #tpu.memory_space<vmem_shared>>)
    %barrier3A_32 = arith.constant 0 : index
    tpu.barrier barrier_id(%barrier3A_32)
    "tpu.region"() ({
      %run_scoped3A = tpu.sem_alloc : memref<!tpu.dma_semaphore, #tpu.memory_space<semaphore_mem>>
      %dma_start3A_33 = arith.constant 0 : i32
      %dma_start3A_34 = tpu.memref_slice %arg3[%arg0, %mul3A_13, %dma_start3A_33] : memref<2x10240x16xf32, #tpu.memory_space<hbm>> -> memref<1x640x16xf32, #tpu.memory_space<hbm>>
      %dma_start3A_35 = tpu.memref_squeeze %dma_start3A_34 : memref<1x640x16xf32, #tpu.memory_space<hbm>> -> memref<640x16xf32, #tpu.memory_space<hbm>>
      %dma_start3A_36 = arith.constant 0 : i32
      %dma_start3A_37 = tpu.memref_slice %arg4[%mul3A_13, %dma_start3A_36] : memref<10240x16xf32, #tpu.memory_space<vmem_shared>> -> memref<640x16xf32, #tpu.memory_space<vmem_shared>>
      tpu.enqueue_dma source(%dma_start3A_37 : memref<640x16xf32, #tpu.memory_space<vmem_shared>>) target(%dma_start3A_35 : memref<640x16xf32, #tpu.memory_space<hbm>>) target_semaphore(%run_scoped3A : memref<!tpu.dma_semaphore, #tpu.memory_space<semaphore_mem>>)
      %dma_wait3A_38 = arith.constant 0 : i32
      %dma_wait3A_39 = tpu.memref_slice %arg3[%arg0, %mul3A_13, %dma_wait3A_38] : memref<2x10240x16xf32, #tpu.memory_space<hbm>> -> memref<1x640x16xf32, #tpu.memory_space<hbm>>
      %dma_wait3A_40 = tpu.memref_squeeze %dma_wait3A_39 : memref<1x640x16xf32, #tpu.memory_space<hbm>> -> memref<640x16xf32, #tpu.memory_space<hbm>>
      %dma_wait3A_41 = arith.constant 0 : i32
      %dma_wait3A_42 = tpu.memref_slice %arg4[%mul3A_13, %dma_wait3A_41] : memref<10240x16xf32, #tpu.memory_space<vmem_shared>> -> memref<640x16xf32, #tpu.memory_space<vmem_shared>>
      tpu.wait_dma2 semaphore(%run_scoped3A : memref<!tpu.dma_semaphore, #tpu.memory_space<semaphore_mem>>) src(%dma_wait3A_42 : memref<640x16xf32, #tpu.memory_space<vmem_shared>>) dst(%dma_wait3A_40 : memref<640x16xf32, #tpu.memory_space<hbm>>)
      tpu.yield
    }) : () -> ()
    return
  }
}

#map = affine_map<(d0, d1) -> (0, 0)>
#map1 = affine_map<(d0, d1) -> (0)>
#map2 = affine_map<(d0, d1) -> (0, 0, 0)>
module attributes {stable_mosaic.version = 14 : i64} {
  func.func @_sc_scatter(%arg0: i32, %arg1: i32, %arg2: memref<10240x128xf32, #tpu.memory_space<hbm>>, %arg3: memref<320000xi32, #tpu.memory_space<hbm>>, %arg4: memref<320000xi32, #tpu.memory_space<hbm>>, %arg5: memref<2x10240x128xf32, #tpu.memory_space<hbm>>, %arg6: memref<10240x128xf32, #tpu.memory_space<vmem_shared>>, %arg7: memref<128x128xf32, #tpu.memory_space<vmem>>, %arg8: memref<128x128xf32, #tpu.memory_space<vmem>>, %arg9: memref<128xi32, #tpu.memory_space<vmem>>, %arg10: memref<128xi32, #tpu.memory_space<vmem>>, %arg11: memref<128xi32, #tpu.memory_space<vmem>>, %arg12: memref<128xi32, #tpu.memory_space<vmem>>, %arg13: memref<16x128xf32, #tpu.memory_space<vmem>>, %arg14: memref<16xi32, #tpu.memory_space<vmem>>, %arg15: memref<16xi32, #tpu.memory_space<vmem>>, %arg16: memref<!tpu.dma_semaphore, #tpu.memory_space<semaphore_mem>>, %arg17: memref<!tpu.dma_semaphore, #tpu.memory_space<semaphore_mem>>, %arg18: memref<!tpu.dma_semaphore, #tpu.memory_space<semaphore_mem>>) attributes {dimension_semantics = [#tpu.dimension_semantics<core_parallel>, #tpu.dimension_semantics<subcore_parallel>], iteration_bounds = array<i64: 2, 16>, scalar_prefetch = 0 : i64, scratch_operands = 13 : i64, tpu.core_type = #tpu.core_type<sc_vector_subcore>, window_params = [{transform_indices = #map}, {transform_indices = #map1}, {transform_indices = #map1}, {transform_indices = #map2}]} {
    %mul3A = arith.constant 2 : i32
    %mul3A_0 = arith.muli %arg1, %mul3A : i32
    %add3A = arith.addi %mul3A_0, %arg0 : i32
    %mul3A_1 = arith.constant 10000 : i32
    %mul3A_2 = arith.muli %add3A, %mul3A_1 : i32
    %mul3A_3 = arith.constant 640 : i32
    %mul3A_4 = arith.muli %arg1, %mul3A_3 : i32
    "tpu.region"() ({
      %run_scoped3A = tpu.sem_alloc : memref<!tpu.dma_semaphore, #tpu.memory_space<semaphore_mem>>
      %dma_start3A_17 = arith.constant 0 : i32
      %dma_start3A_18 = tpu.memref_slice %arg6[%mul3A_4, %dma_start3A_17] : memref<10240x128xf32, #tpu.memory_space<vmem_shared>> -> memref<640x128xf32, #tpu.memory_space<vmem_shared>>
      %dma_start3A_19 = arith.constant 0 : i32
      %dma_start3A_20 = tpu.memref_slice %arg2[%mul3A_4, %dma_start3A_19] : memref<10240x128xf32, #tpu.memory_space<hbm>> -> memref<640x128xf32, #tpu.memory_space<hbm>>
      tpu.enqueue_dma source(%dma_start3A_20 : memref<640x128xf32, #tpu.memory_space<hbm>>) target(%dma_start3A_18 : memref<640x128xf32, #tpu.memory_space<vmem_shared>>) target_semaphore(%run_scoped3A : memref<!tpu.dma_semaphore, #tpu.memory_space<semaphore_mem>>)
      %dma_wait3A_21 = arith.constant 0 : i32
      %dma_wait3A_22 = tpu.memref_slice %arg6[%mul3A_4, %dma_wait3A_21] : memref<10240x128xf32, #tpu.memory_space<vmem_shared>> -> memref<640x128xf32, #tpu.memory_space<vmem_shared>>
      %dma_wait3A_23 = arith.constant 0 : i32
      %dma_wait3A_24 = tpu.memref_slice %arg2[%mul3A_4, %dma_wait3A_23] : memref<10240x128xf32, #tpu.memory_space<hbm>> -> memref<640x128xf32, #tpu.memory_space<hbm>>
      tpu.wait_dma2 semaphore(%run_scoped3A : memref<!tpu.dma_semaphore, #tpu.memory_space<semaphore_mem>>) src(%dma_wait3A_24 : memref<640x128xf32, #tpu.memory_space<hbm>>) dst(%dma_wait3A_22 : memref<640x128xf32, #tpu.memory_space<vmem_shared>>)
      tpu.yield
    }) : () -> ()
    %barrier3A = arith.constant 0 : index
    tpu.barrier barrier_id(%barrier3A)
    %scan3A = arith.constant 0 : i32
    %scan3A_5 = arith.constant 0 : i32
    %scan3A_6 = arith.constant 39 : i32
    %scan3A_7 = arith.addi %scan3A_5, %scan3A_6 : i32
    %scan3A_8 = arith.constant 1 : i32
    scf.for %scan3A_17 = %scan3A_5 to %scan3A_7 step %scan3A_8  : i32 {
      %mul3A_18 = arith.constant 2 : i32
      %mul3A_19 = arith.muli %scan3A_17, %mul3A_18 : i32
      %add3A_20 = arith.constant 0 : i32
      %add3A_21 = arith.addi %mul3A_19, %add3A_20 : i32
      %mul3A_22 = arith.constant 128 : i32
      %mul3A_23 = arith.muli %add3A_21, %mul3A_22 : i32
      %add3A_24 = arith.addi %mul3A_2, %mul3A_23 : i32
      %dma_start3A_25 = tpu.memref_slice %arg3[%add3A_24] : memref<320000xi32, #tpu.memory_space<hbm>> -> memref<128xi32, #tpu.memory_space<hbm>>
      %dma_start3A_26 = tpu.memref_slice %arg3[%add3A_24] : memref<320000xi32, #tpu.memory_space<hbm>> -> memref<128xi32, #tpu.memory_space<hbm>>
      tpu.enqueue_dma source(%dma_start3A_26 : memref<128xi32, #tpu.memory_space<hbm>>) target(%arg9 : memref<128xi32, #tpu.memory_space<vmem>>) target_semaphore(%arg16 : memref<!tpu.dma_semaphore, #tpu.memory_space<semaphore_mem>>)
      %dma_start3A_27 = tpu.memref_slice %arg4[%add3A_24] : memref<320000xi32, #tpu.memory_space<hbm>> -> memref<128xi32, #tpu.memory_space<hbm>>
      %dma_start3A_28 = tpu.memref_slice %arg4[%add3A_24] : memref<320000xi32, #tpu.memory_space<hbm>> -> memref<128xi32, #tpu.memory_space<hbm>>
      tpu.enqueue_dma source(%dma_start3A_28 : memref<128xi32, #tpu.memory_space<hbm>>) target(%arg11 : memref<128xi32, #tpu.memory_space<vmem>>) target_semaphore(%arg16 : memref<!tpu.dma_semaphore, #tpu.memory_space<semaphore_mem>>)
      %add3A_29 = arith.constant 1 : i32
      %add3A_30 = arith.addi %mul3A_19, %add3A_29 : i32
      %mul3A_31 = arith.constant 128 : i32
      %mul3A_32 = arith.muli %add3A_30, %mul3A_31 : i32
      %add3A_33 = arith.addi %mul3A_2, %mul3A_32 : i32
      %dma_start3A_34 = tpu.memref_slice %arg3[%add3A_33] : memref<320000xi32, #tpu.memory_space<hbm>> -> memref<128xi32, #tpu.memory_space<hbm>>
      %dma_start3A_35 = tpu.memref_slice %arg3[%add3A_33] : memref<320000xi32, #tpu.memory_space<hbm>> -> memref<128xi32, #tpu.memory_space<hbm>>
      tpu.enqueue_dma source(%dma_start3A_35 : memref<128xi32, #tpu.memory_space<hbm>>) target(%arg10 : memref<128xi32, #tpu.memory_space<vmem>>) target_semaphore(%arg16 : memref<!tpu.dma_semaphore, #tpu.memory_space<semaphore_mem>>)
      %dma_start3A_36 = tpu.memref_slice %arg4[%add3A_33] : memref<320000xi32, #tpu.memory_space<hbm>> -> memref<128xi32, #tpu.memory_space<hbm>>
      %dma_start3A_37 = tpu.memref_slice %arg4[%add3A_33] : memref<320000xi32, #tpu.memory_space<hbm>> -> memref<128xi32, #tpu.memory_space<hbm>>
      tpu.enqueue_dma source(%dma_start3A_37 : memref<128xi32, #tpu.memory_space<hbm>>) target(%arg12 : memref<128xi32, #tpu.memory_space<vmem>>) target_semaphore(%arg16 : memref<!tpu.dma_semaphore, #tpu.memory_space<semaphore_mem>>)
      %dma_wait3A_38 = tpu.memref_slice %arg3[%add3A_24] : memref<320000xi32, #tpu.memory_space<hbm>> -> memref<128xi32, #tpu.memory_space<hbm>>
      %dma_wait3A_39 = tpu.memref_slice %arg3[%add3A_24] : memref<320000xi32, #tpu.memory_space<hbm>> -> memref<128xi32, #tpu.memory_space<hbm>>
      tpu.wait_dma2 semaphore(%arg16 : memref<!tpu.dma_semaphore, #tpu.memory_space<semaphore_mem>>) src(%dma_wait3A_39 : memref<128xi32, #tpu.memory_space<hbm>>) dst(%arg9 : memref<128xi32, #tpu.memory_space<vmem>>)
      %dma_start3A_40 = arith.constant 0 : i32
      %dma_start3A_41 = arith.constant 0 : i32
      %dma_start3A_42 = tpu.memref_slice %arg2[%dma_start3A_40, %dma_start3A_41] : memref<10240x128xf32, #tpu.memory_space<hbm>> -> memref<10240x128xf32, #tpu.memory_space<hbm>>
      tpu.enqueue_indirect_dma source(%dma_start3A_42 : memref<10240x128xf32, #tpu.memory_space<hbm>>) target(%arg7 : memref<128x128xf32, #tpu.memory_space<vmem>>) offsets(%arg9 : memref<128xi32, #tpu.memory_space<vmem>>) semaphore(%arg17 : memref<!tpu.dma_semaphore, #tpu.memory_space<semaphore_mem>>)
      %dma_wait3A_43 = tpu.memref_slice %arg3[%add3A_33] : memref<320000xi32, #tpu.memory_space<hbm>> -> memref<128xi32, #tpu.memory_space<hbm>>
      %dma_wait3A_44 = tpu.memref_slice %arg3[%add3A_33] : memref<320000xi32, #tpu.memory_space<hbm>> -> memref<128xi32, #tpu.memory_space<hbm>>
      tpu.wait_dma2 semaphore(%arg16 : memref<!tpu.dma_semaphore, #tpu.memory_space<semaphore_mem>>) src(%dma_wait3A_44 : memref<128xi32, #tpu.memory_space<hbm>>) dst(%arg10 : memref<128xi32, #tpu.memory_space<vmem>>)
      %dma_start3A_45 = arith.constant 0 : i32
      %dma_start3A_46 = arith.constant 0 : i32
      %dma_start3A_47 = tpu.memref_slice %arg2[%dma_start3A_45, %dma_start3A_46] : memref<10240x128xf32, #tpu.memory_space<hbm>> -> memref<10240x128xf32, #tpu.memory_space<hbm>>
      tpu.enqueue_indirect_dma source(%dma_start3A_47 : memref<10240x128xf32, #tpu.memory_space<hbm>>) target(%arg8 : memref<128x128xf32, #tpu.memory_space<vmem>>) offsets(%arg10 : memref<128xi32, #tpu.memory_space<vmem>>) semaphore(%arg17 : memref<!tpu.dma_semaphore, #tpu.memory_space<semaphore_mem>>)
      %dma_wait3A_48 = arith.constant 0 : i32
      %dma_wait3A_49 = arith.constant 0 : i32
      %dma_wait3A_50 = tpu.memref_slice %arg2[%dma_wait3A_48, %dma_wait3A_49] : memref<10240x128xf32, #tpu.memory_space<hbm>> -> memref<10240x128xf32, #tpu.memory_space<hbm>>
      tpu.wait_indirect_dma semaphore(%arg17 : memref<!tpu.dma_semaphore, #tpu.memory_space<semaphore_mem>>) src(%dma_wait3A_50 : memref<10240x128xf32, #tpu.memory_space<hbm>>) dst(%arg7 : memref<128x128xf32, #tpu.memory_space<vmem>>)
      %dma_wait3A_51 = tpu.memref_slice %arg4[%add3A_24] : memref<320000xi32, #tpu.memory_space<hbm>> -> memref<128xi32, #tpu.memory_space<hbm>>
      %dma_wait3A_52 = tpu.memref_slice %arg4[%add3A_24] : memref<320000xi32, #tpu.memory_space<hbm>> -> memref<128xi32, #tpu.memory_space<hbm>>
      tpu.wait_dma2 semaphore(%arg16 : memref<!tpu.dma_semaphore, #tpu.memory_space<semaphore_mem>>) src(%dma_wait3A_52 : memref<128xi32, #tpu.memory_space<hbm>>) dst(%arg11 : memref<128xi32, #tpu.memory_space<vmem>>)
      %dma_start3A_53 = arith.constant 0 : i32
      %dma_start3A_54 = arith.constant 0 : i32
      %dma_start3A_55 = tpu.memref_slice %arg6[%dma_start3A_53, %dma_start3A_54] : memref<10240x128xf32, #tpu.memory_space<vmem_shared>> -> memref<10240x128xf32, #tpu.memory_space<vmem_shared>>
      tpu.enqueue_indirect_dma source(%arg7 : memref<128x128xf32, #tpu.memory_space<vmem>>) target(%dma_start3A_55 : memref<10240x128xf32, #tpu.memory_space<vmem_shared>>) offsets(%arg11 : memref<128xi32, #tpu.memory_space<vmem>>) semaphore(%arg18 : memref<!tpu.dma_semaphore, #tpu.memory_space<semaphore_mem>>) {add = true}
      %dma_wait3A_56 = arith.constant 0 : i32
      %dma_wait3A_57 = arith.constant 0 : i32
      %dma_wait3A_58 = tpu.memref_slice %arg2[%dma_wait3A_56, %dma_wait3A_57] : memref<10240x128xf32, #tpu.memory_space<hbm>> -> memref<10240x128xf32, #tpu.memory_space<hbm>>
      tpu.wait_indirect_dma semaphore(%arg17 : memref<!tpu.dma_semaphore, #tpu.memory_space<semaphore_mem>>) src(%dma_wait3A_58 : memref<10240x128xf32, #tpu.memory_space<hbm>>) dst(%arg8 : memref<128x128xf32, #tpu.memory_space<vmem>>)
      %dma_wait3A_59 = tpu.memref_slice %arg4[%add3A_33] : memref<320000xi32, #tpu.memory_space<hbm>> -> memref<128xi32, #tpu.memory_space<hbm>>
      %dma_wait3A_60 = tpu.memref_slice %arg4[%add3A_33] : memref<320000xi32, #tpu.memory_space<hbm>> -> memref<128xi32, #tpu.memory_space<hbm>>
      tpu.wait_dma2 semaphore(%arg16 : memref<!tpu.dma_semaphore, #tpu.memory_space<semaphore_mem>>) src(%dma_wait3A_60 : memref<128xi32, #tpu.memory_space<hbm>>) dst(%arg12 : memref<128xi32, #tpu.memory_space<vmem>>)
      %dma_start3A_61 = arith.constant 0 : i32
      %dma_start3A_62 = arith.constant 0 : i32
      %dma_start3A_63 = tpu.memref_slice %arg6[%dma_start3A_61, %dma_start3A_62] : memref<10240x128xf32, #tpu.memory_space<vmem_shared>> -> memref<10240x128xf32, #tpu.memory_space<vmem_shared>>
      tpu.enqueue_indirect_dma source(%arg8 : memref<128x128xf32, #tpu.memory_space<vmem>>) target(%dma_start3A_63 : memref<10240x128xf32, #tpu.memory_space<vmem_shared>>) offsets(%arg12 : memref<128xi32, #tpu.memory_space<vmem>>) semaphore(%arg18 : memref<!tpu.dma_semaphore, #tpu.memory_space<semaphore_mem>>) {add = true}
      %dma_wait3A_64 = arith.constant 0 : i32
      %dma_wait3A_65 = arith.constant 0 : i32
      %dma_wait3A_66 = tpu.memref_slice %arg6[%dma_wait3A_64, %dma_wait3A_65] : memref<10240x128xf32, #tpu.memory_space<vmem_shared>> -> memref<10240x128xf32, #tpu.memory_space<vmem_shared>>
      tpu.wait_indirect_dma semaphore(%arg18 : memref<!tpu.dma_semaphore, #tpu.memory_space<semaphore_mem>>) src(%arg7 : memref<128x128xf32, #tpu.memory_space<vmem>>) dst(%dma_wait3A_66 : memref<10240x128xf32, #tpu.memory_space<vmem_shared>>)
      %dma_wait3A_67 = arith.constant 0 : i32
      %dma_wait3A_68 = arith.constant 0 : i32
      %dma_wait3A_69 = tpu.memref_slice %arg6[%dma_wait3A_67, %dma_wait3A_68] : memref<10240x128xf32, #tpu.memory_space<vmem_shared>> -> memref<10240x128xf32, #tpu.memory_space<vmem_shared>>
      tpu.wait_indirect_dma semaphore(%arg18 : memref<!tpu.dma_semaphore, #tpu.memory_space<semaphore_mem>>) src(%arg8 : memref<128x128xf32, #tpu.memory_space<vmem>>) dst(%dma_wait3A_69 : memref<10240x128xf32, #tpu.memory_space<vmem_shared>>)
    }
    %scan3A_9 = arith.constant 39 : i32
    %add3A_10 = arith.constant 9984 : i32
    %add3A_11 = arith.addi %mul3A_2, %add3A_10 : i32
    "tpu.region"() ({
      %run_scoped3A = tpu.sem_alloc : memref<!tpu.dma_semaphore, #tpu.memory_space<semaphore_mem>>
      %dma_start3A_17 = tpu.memref_slice %arg3[%add3A_11] : memref<320000xi32, #tpu.memory_space<hbm>> -> memref<16xi32, #tpu.memory_space<hbm>>
      %dma_start3A_18 = tpu.memref_slice %arg3[%add3A_11] : memref<320000xi32, #tpu.memory_space<hbm>> -> memref<16xi32, #tpu.memory_space<hbm>>
      tpu.enqueue_dma source(%dma_start3A_18 : memref<16xi32, #tpu.memory_space<hbm>>) target(%arg14 : memref<16xi32, #tpu.memory_space<vmem>>) target_semaphore(%run_scoped3A : memref<!tpu.dma_semaphore, #tpu.memory_space<semaphore_mem>>)
      %dma_wait3A_19 = tpu.memref_slice %arg3[%add3A_11] : memref<320000xi32, #tpu.memory_space<hbm>> -> memref<16xi32, #tpu.memory_space<hbm>>
      %dma_wait3A_20 = tpu.memref_slice %arg3[%add3A_11] : memref<320000xi32, #tpu.memory_space<hbm>> -> memref<16xi32, #tpu.memory_space<hbm>>
      tpu.wait_dma2 semaphore(%run_scoped3A : memref<!tpu.dma_semaphore, #tpu.memory_space<semaphore_mem>>) src(%dma_wait3A_20 : memref<16xi32, #tpu.memory_space<hbm>>) dst(%arg14 : memref<16xi32, #tpu.memory_space<vmem>>)
      tpu.yield
    }) : () -> ()
    "tpu.region"() ({
      %run_scoped3A = tpu.sem_alloc : memref<!tpu.dma_semaphore, #tpu.memory_space<semaphore_mem>>
      %dma_start3A_17 = tpu.memref_slice %arg4[%add3A_11] : memref<320000xi32, #tpu.memory_space<hbm>> -> memref<16xi32, #tpu.memory_space<hbm>>
      %dma_start3A_18 = tpu.memref_slice %arg4[%add3A_11] : memref<320000xi32, #tpu.memory_space<hbm>> -> memref<16xi32, #tpu.memory_space<hbm>>
      tpu.enqueue_dma source(%dma_start3A_18 : memref<16xi32, #tpu.memory_space<hbm>>) target(%arg15 : memref<16xi32, #tpu.memory_space<vmem>>) target_semaphore(%run_scoped3A : memref<!tpu.dma_semaphore, #tpu.memory_space<semaphore_mem>>)
      %dma_wait3A_19 = tpu.memref_slice %arg4[%add3A_11] : memref<320000xi32, #tpu.memory_space<hbm>> -> memref<16xi32, #tpu.memory_space<hbm>>
      %dma_wait3A_20 = tpu.memref_slice %arg4[%add3A_11] : memref<320000xi32, #tpu.memory_space<hbm>> -> memref<16xi32, #tpu.memory_space<hbm>>
      tpu.wait_dma2 semaphore(%run_scoped3A : memref<!tpu.dma_semaphore, #tpu.memory_space<semaphore_mem>>) src(%dma_wait3A_20 : memref<16xi32, #tpu.memory_space<hbm>>) dst(%arg15 : memref<16xi32, #tpu.memory_space<vmem>>)
      tpu.yield
    }) : () -> ()
    %dma_start3A = arith.constant 0 : i32
    %dma_start3A_12 = arith.constant 0 : i32
    %dma_start3A_13 = tpu.memref_slice %arg2[%dma_start3A, %dma_start3A_12] : memref<10240x128xf32, #tpu.memory_space<hbm>> -> memref<10240x128xf32, #tpu.memory_space<hbm>>
    tpu.enqueue_indirect_dma source(%dma_start3A_13 : memref<10240x128xf32, #tpu.memory_space<hbm>>) target(%arg13 : memref<16x128xf32, #tpu.memory_space<vmem>>) offsets(%arg14 : memref<16xi32, #tpu.memory_space<vmem>>) semaphore(%arg17 : memref<!tpu.dma_semaphore, #tpu.memory_space<semaphore_mem>>)
    %dma_wait3A = arith.constant 0 : i32
    %dma_wait3A_14 = arith.constant 0 : i32
    %dma_wait3A_15 = tpu.memref_slice %arg2[%dma_wait3A, %dma_wait3A_14] : memref<10240x128xf32, #tpu.memory_space<hbm>> -> memref<10240x128xf32, #tpu.memory_space<hbm>>
    tpu.wait_indirect_dma semaphore(%arg17 : memref<!tpu.dma_semaphore, #tpu.memory_space<semaphore_mem>>) src(%dma_wait3A_15 : memref<10240x128xf32, #tpu.memory_space<hbm>>) dst(%arg13 : memref<16x128xf32, #tpu.memory_space<vmem>>)
    "tpu.region"() ({
      %run_scoped3A = tpu.sem_alloc : memref<!tpu.dma_semaphore, #tpu.memory_space<semaphore_mem>>
      %dma_start3A_17 = arith.constant 0 : i32
      %dma_start3A_18 = arith.constant 0 : i32
      %dma_start3A_19 = tpu.memref_slice %arg6[%dma_start3A_17, %dma_start3A_18] : memref<10240x128xf32, #tpu.memory_space<vmem_shared>> -> memref<10240x128xf32, #tpu.memory_space<vmem_shared>>
      tpu.enqueue_indirect_dma source(%arg13 : memref<16x128xf32, #tpu.memory_space<vmem>>) target(%dma_start3A_19 : memref<10240x128xf32, #tpu.memory_space<vmem_shared>>) offsets(%arg15 : memref<16xi32, #tpu.memory_space<vmem>>) semaphore(%run_scoped3A : memref<!tpu.dma_semaphore, #tpu.memory_space<semaphore_mem>>) {add = true}
      %dma_wait3A_20 = arith.constant 0 : i32
      %dma_wait3A_21 = arith.constant 0 : i32
      %dma_wait3A_22 = tpu.memref_slice %arg6[%dma_wait3A_20, %dma_wait3A_21] : memref<10240x128xf32, #tpu.memory_space<vmem_shared>> -> memref<10240x128xf32, #tpu.memory_space<vmem_shared>>
      tpu.wait_indirect_dma semaphore(%run_scoped3A : memref<!tpu.dma_semaphore, #tpu.memory_space<semaphore_mem>>) src(%arg13 : memref<16x128xf32, #tpu.memory_space<vmem>>) dst(%dma_wait3A_22 : memref<10240x128xf32, #tpu.memory_space<vmem_shared>>)
      tpu.yield
    }) : () -> ()
    %barrier3A_16 = arith.constant 0 : index
    tpu.barrier barrier_id(%barrier3A_16)
    "tpu.region"() ({
      %run_scoped3A = tpu.sem_alloc : memref<!tpu.dma_semaphore, #tpu.memory_space<semaphore_mem>>
      %dma_start3A_17 = arith.constant 0 : i32
      %dma_start3A_18 = tpu.memref_slice %arg5[%arg0, %mul3A_4, %dma_start3A_17] : memref<2x10240x128xf32, #tpu.memory_space<hbm>> -> memref<1x640x128xf32, #tpu.memory_space<hbm>>
      %dma_start3A_19 = tpu.memref_squeeze %dma_start3A_18 : memref<1x640x128xf32, #tpu.memory_space<hbm>> -> memref<640x128xf32, #tpu.memory_space<hbm>>
      %dma_start3A_20 = arith.constant 0 : i32
      %dma_start3A_21 = tpu.memref_slice %arg6[%mul3A_4, %dma_start3A_20] : memref<10240x128xf32, #tpu.memory_space<vmem_shared>> -> memref<640x128xf32, #tpu.memory_space<vmem_shared>>
      tpu.enqueue_dma source(%dma_start3A_21 : memref<640x128xf32, #tpu.memory_space<vmem_shared>>) target(%dma_start3A_19 : memref<640x128xf32, #tpu.memory_space<hbm>>) target_semaphore(%run_scoped3A : memref<!tpu.dma_semaphore, #tpu.memory_space<semaphore_mem>>)
      %dma_wait3A_22 = arith.constant 0 : i32
      %dma_wait3A_23 = tpu.memref_slice %arg5[%arg0, %mul3A_4, %dma_wait3A_22] : memref<2x10240x128xf32, #tpu.memory_space<hbm>> -> memref<1x640x128xf32, #tpu.memory_space<hbm>>
      %dma_wait3A_24 = tpu.memref_squeeze %dma_wait3A_23 : memref<1x640x128xf32, #tpu.memory_space<hbm>> -> memref<640x128xf32, #tpu.memory_space<hbm>>
      %dma_wait3A_25 = arith.constant 0 : i32
      %dma_wait3A_26 = tpu.memref_slice %arg6[%mul3A_4, %dma_wait3A_25] : memref<10240x128xf32, #tpu.memory_space<vmem_shared>> -> memref<640x128xf32, #tpu.memory_space<vmem_shared>>
      tpu.wait_dma2 semaphore(%run_scoped3A : memref<!tpu.dma_semaphore, #tpu.memory_space<semaphore_mem>>) src(%dma_wait3A_26 : memref<640x128xf32, #tpu.memory_space<vmem_shared>>) dst(%dma_wait3A_24 : memref<640x128xf32, #tpu.memory_space<hbm>>)
      tpu.yield
    }) : () -> ()
    return
  }
}

module attributes {stable_mosaic.version = 14 : i64} {
  func.func @_tc_prescale_body(%arg0: i32, %arg1: memref<2x2048x16xf32, #tpu.memory_space<vmem>>, %arg2: memref<2048x128xf32, #tpu.memory_space<vmem>>, %arg3: memref<128x128xf32, #tpu.memory_space<vmem>>, %arg4: memref<2048x128xf32, #tpu.memory_space<vmem>>) attributes {dimension_semantics = [#tpu.dimension_semantics<arbitrary>], iteration_bounds = array<i64: 5>, scalar_prefetch = 0 : i64, scratch_operands = 0 : i64, tpu.core_type = #tpu.core_type<tc>, window_params = [{transform_indices = @transform_0, window_bounds = array<i64: 2, 2048, 16>}, {transform_indices = @transform_1, window_bounds = array<i64: 2048, 128>}, {pipeline_mode = #tpu.pipeline_mode<synchronous>, transform_indices = @transform_2, window_bounds = array<i64: 128, 128>}, {transform_indices = @transform_3, window_bounds = array<i64: 2048, 128>}]} {
    %get3A = arith.constant 0 : index
    %get3A_0 = arith.constant 0 : index
    %get3A_1 = vector.load %arg2[%get3A, %get3A_0] : memref<2048x128xf32, #tpu.memory_space<vmem>>, vector<2048x128xf32>
    %get3A_2 = arith.constant 0 : index
    %get3A_3 = arith.constant 0 : index
    %get3A_4 = vector.load %arg3[%get3A_2, %get3A_3] : memref<128x128xf32, #tpu.memory_space<vmem>>, vector<128x128xf32>
    %dot_general3A = arith.constant dense<0.000000e+00> : vector<2048x128xf32>
    %dot_general3A_5 = tpu.matmul %get3A_1, %get3A_4, %dot_general3A {dimension_numbers = #tpu.dot_dimension_numbers<[1], [0], [0], [1], [0, 0, 1, 1], [], []>, transpose_lhs_hint = false} : vector<2048x128xf32>, vector<128x128xf32>, vector<2048x128xf32> -> vector<2048x128xf32>
    %get3A_6 = arith.constant 0 : index
    %get3A_7 = arith.constant 0 : index
    %get3A_8 = arith.constant 0 : index
    %get3A_9 = vector.load %arg1[%get3A_6, %get3A_7, %get3A_8] : memref<2x2048x16xf32, #tpu.memory_space<vmem>>, vector<2x2048x16xf32>
    %slice3A = vector.extract_strided_slice %get3A_9 {offsets = [0, 0, 0], sizes = [1, 2048, 1], strides = [1, 1, 1]} : vector<2x2048x16xf32> to vector<1x2048x1xf32>
    %squeeze3A = vector.shape_cast %slice3A : vector<1x2048x1xf32> to vector<2048x1xf32>
    %slice3A_10 = vector.extract_strided_slice %get3A_9 {offsets = [1, 0, 0], sizes = [1, 2048, 1], strides = [1, 1, 1]} : vector<2x2048x16xf32> to vector<1x2048x1xf32>
    %squeeze3A_11 = vector.shape_cast %slice3A_10 : vector<1x2048x1xf32> to vector<2048x1xf32>
    %add3A = arith.addf %squeeze3A, %squeeze3A_11 : vector<2048x1xf32>
    %add3A_12 = arith.constant 1.000000e+00 : f32
    %add3A_13 = vector.broadcast %add3A_12 : f32 to vector<2048x1xf32>
    %add3A_14 = arith.addf %add3A, %add3A_13 : vector<2048x1xf32>
    %rsqrt3A = math.rsqrt %add3A_14 : vector<2048x1xf32>
    %mul3A = vector.broadcast %rsqrt3A : vector<2048x1xf32> to vector<2048x128xf32>
    %mul3A_15 = arith.mulf %dot_general3A_5, %mul3A : vector<2048x128xf32>
    %swap3A = arith.constant 0 : index
    %swap3A_16 = arith.constant 0 : index
    %swap3A_17 = vector.load %arg4[%swap3A, %swap3A_16] : memref<2048x128xf32, #tpu.memory_space<vmem>>, vector<2048x128xf32>
    tpu.vector_store %arg4[%swap3A, %swap3A_16], %mul3A_15 {strides = array<i32>} : memref<2048x128xf32, #tpu.memory_space<vmem>>, vector<2048x128xf32>,
    return
  }
  func.func @transform_0(%arg0: i32) -> (i32, i32, i32) {
    %c0_i32 = arith.constant 0 : i32
    %c0_i32_0 = arith.constant 0 : i32
    %c0_i32_1 = arith.constant 0 : i32
    return %c0_i32, %arg0, %c0_i32_0 : i32, i32, i32
  }
  func.func @transform_1(%arg0: i32) -> (i32, i32) {
    %c0_i32 = arith.constant 0 : i32
    %c0_i32_0 = arith.constant 0 : i32
    return %arg0, %c0_i32 : i32, i32
  }
  func.func @transform_2(%arg0: i32) -> (i32, i32) {
    %c0_i32 = arith.constant 0 : i32
    %c0_i32_0 = arith.constant 0 : i32
    %c0_i32_1 = arith.constant 0 : i32
    return %c0_i32, %c0_i32_0 : i32, i32
  }
  func.func @transform_3(%arg0: i32) -> (i32, i32) {
    %c0_i32 = arith.constant 0 : i32
    %c0_i32_0 = arith.constant 0 : i32
    return %arg0, %c0_i32 : i32, i32
  }
}

module attributes {stable_mosaic.version = 14 : i64} {
  func.func @_tc_mid_body(%arg0: i32, %arg1: memref<2x2048x16xf32, #tpu.memory_space<vmem>>, %arg2: memref<2x2048x128xf32, #tpu.memory_space<vmem>>, %arg3: memref<2048x128xf32, #tpu.memory_space<vmem>>, %arg4: memref<1x128xf32, #tpu.memory_space<vmem>>, %arg5: memref<128x128xf32, #tpu.memory_space<vmem>>, %arg6: memref<2048x128xf32, #tpu.memory_space<vmem>>) attributes {dimension_semantics = [#tpu.dimension_semantics<arbitrary>], iteration_bounds = array<i64: 5>, scalar_prefetch = 0 : i64, scratch_operands = 0 : i64, tpu.core_type = #tpu.core_type<tc>, window_params = [{transform_indices = @transform_0, window_bounds = array<i64: 2, 2048, 16>}, {transform_indices = @transform_1, window_bounds = array<i64: 2, 2048, 128>}, {transform_indices = @transform_2, window_bounds = array<i64: 2048, 128>}, {pipeline_mode = #tpu.pipeline_mode<synchronous>, transform_indices = @transform_3, window_bounds = array<i64: 1, 128>}, {pipeline_mode = #tpu.pipeline_mode<synchronous>, transform_indices = @transform_4, window_bounds = array<i64: 128, 128>}, {transform_indices = @transform_5, window_bounds = array<i64: 2048, 128>}]} {
    %get3A = arith.constant 0 : index
    %get3A_0 = arith.constant 0 : index
    %get3A_1 = arith.constant 0 : index
    %get3A_2 = vector.load %arg1[%get3A, %get3A_0, %get3A_1] : memref<2x2048x16xf32, #tpu.memory_space<vmem>>, vector<2x2048x16xf32>
    %slice3A = vector.extract_strided_slice %get3A_2 {offsets = [0, 0, 0], sizes = [1, 2048, 1], strides = [1, 1, 1]} : vector<2x2048x16xf32> to vector<1x2048x1xf32>
    %squeeze3A = vector.shape_cast %slice3A : vector<1x2048x1xf32> to vector<2048x1xf32>
    %slice3A_3 = vector.extract_strided_slice %get3A_2 {offsets = [1, 0, 0], sizes = [1, 2048, 1], strides = [1, 1, 1]} : vector<2x2048x16xf32> to vector<1x2048x1xf32>
    %squeeze3A_4 = vector.shape_cast %slice3A_3 : vector<1x2048x1xf32> to vector<2048x1xf32>
    %add3A = arith.addf %squeeze3A, %squeeze3A_4 : vector<2048x1xf32>
    %add3A_5 = arith.constant 1.000000e+00 : f32
    %add3A_6 = vector.broadcast %add3A_5 : f32 to vector<2048x1xf32>
    %add3A_7 = arith.addf %add3A, %add3A_6 : vector<2048x1xf32>
    %rsqrt3A = math.rsqrt %add3A_7 : vector<2048x1xf32>
    %get3A_8 = arith.constant 0 : index
    %get3A_9 = arith.constant 0 : index
    %get3A_10 = arith.constant 0 : index
    %get3A_11 = vector.load %arg2[%get3A_8, %get3A_9, %get3A_10] : memref<2x2048x128xf32, #tpu.memory_space<vmem>>, vector<2x2048x128xf32>
    %slice3A_12 = vector.extract_strided_slice %get3A_11 {offsets = [0, 0, 0], sizes = [1, 2048, 128], strides = [1, 1, 1]} : vector<2x2048x128xf32> to vector<1x2048x128xf32>
    %squeeze3A_13 = vector.shape_cast %slice3A_12 : vector<1x2048x128xf32> to vector<2048x128xf32>
    %slice3A_14 = vector.extract_strided_slice %get3A_11 {offsets = [1, 0, 0], sizes = [1, 2048, 128], strides = [1, 1, 1]} : vector<2x2048x128xf32> to vector<1x2048x128xf32>
    %squeeze3A_15 = vector.shape_cast %slice3A_14 : vector<1x2048x128xf32> to vector<2048x128xf32>
    %add3A_16 = arith.addf %squeeze3A_13, %squeeze3A_15 : vector<2048x128xf32>
    %get3A_17 = arith.constant 0 : index
    %get3A_18 = arith.constant 0 : index
    %get3A_19 = vector.load %arg3[%get3A_17, %get3A_18] : memref<2048x128xf32, #tpu.memory_space<vmem>>, vector<2048x128xf32>
    %sub3A = arith.subf %add3A_16, %get3A_19 : vector<2048x128xf32>
    %mul3A = vector.broadcast %rsqrt3A : vector<2048x1xf32> to vector<2048x128xf32>
    %mul3A_20 = arith.mulf %sub3A, %mul3A : vector<2048x128xf32>
    %get3A_21 = arith.constant 0 : index
    %get3A_22 = arith.constant 0 : index
    %get3A_23 = vector.load %arg4[%get3A_21, %get3A_22] : memref<1x128xf32, #tpu.memory_space<vmem>>, vector<1x128xf32>
    %add3A_24 = vector.broadcast %get3A_23 : vector<1x128xf32> to vector<2048x128xf32>
    %add3A_25 = arith.addf %mul3A_20, %add3A_24 : vector<2048x128xf32>
    %max3A = arith.constant 0.000000e+00 : f32
    %max3A_26 = vector.broadcast %max3A : f32 to vector<2048x128xf32>
    %max3A_27 = arith.maximumf %add3A_25, %max3A_26 : vector<2048x128xf32>
    %get3A_28 = arith.constant 0 : index
    %get3A_29 = arith.constant 0 : index
    %get3A_30 = vector.load %arg5[%get3A_28, %get3A_29] : memref<128x128xf32, #tpu.memory_space<vmem>>, vector<128x128xf32>
    %dot_general3A = arith.constant dense<0.000000e+00> : vector<2048x128xf32>
    %dot_general3A_31 = tpu.matmul %max3A_27, %get3A_30, %dot_general3A {dimension_numbers = #tpu.dot_dimension_numbers<[1], [0], [0], [1], [0, 0, 1, 1], [], []>, transpose_lhs_hint = false} : vector<2048x128xf32>, vector<128x128xf32>, vector<2048x128xf32> -> vector<2048x128xf32>
    %mul3A_32 = vector.broadcast %rsqrt3A : vector<2048x1xf32> to vector<2048x128xf32>
    %mul3A_33 = arith.mulf %dot_general3A_31, %mul3A_32 : vector<2048x128xf32>
    %swap3A = arith.constant 0 : index
    %swap3A_34 = arith.constant 0 : index
    %swap3A_35 = vector.load %arg6[%swap3A, %swap3A_34] : memref<2048x128xf32, #tpu.memory_space<vmem>>, vector<2048x128xf32>
    tpu.vector_store %arg6[%swap3A, %swap3A_34], %mul3A_33 {strides = array<i32>} : memref<2048x128xf32, #tpu.memory_space<vmem>>, vector<2048x128xf32>,
    return
  }
  func.func @transform_0(%arg0: i32) -> (i32, i32, i32) {
    %c0_i32 = arith.constant 0 : i32
    %c0_i32_0 = arith.constant 0 : i32
    %c0_i32_1 = arith.constant 0 : i32
    return %c0_i32, %arg0, %c0_i32_0 : i32, i32, i32
  }
  func.func @transform_1(%arg0: i32) -> (i32, i32, i32) {
    %c0_i32 = arith.constant 0 : i32
    %c0_i32_0 = arith.constant 0 : i32
    %c0_i32_1 = arith.constant 0 : i32
    return %c0_i32, %arg0, %c0_i32_0 : i32, i32, i32
  }
  func.func @transform_2(%arg0: i32) -> (i32, i32) {
    %c0_i32 = arith.constant 0 : i32
    %c0_i32_0 = arith.constant 0 : i32
    return %arg0, %c0_i32 : i32, i32
  }
  func.func @transform_3(%arg0: i32) -> (i32, i32) {
    %c0_i32 = arith.constant 0 : i32
    %c0_i32_0 = arith.constant 0 : i32
    %c0_i32_1 = arith.constant 0 : i32
    return %c0_i32, %c0_i32_0 : i32, i32
  }
  func.func @transform_4(%arg0: i32) -> (i32, i32) {
    %c0_i32 = arith.constant 0 : i32
    %c0_i32_0 = arith.constant 0 : i32
    %c0_i32_1 = arith.constant 0 : i32
    return %c0_i32, %c0_i32_0 : i32, i32
  }
  func.func @transform_5(%arg0: i32) -> (i32, i32) {
    %c0_i32 = arith.constant 0 : i32
    %c0_i32_0 = arith.constant 0 : i32
    return %arg0, %c0_i32 : i32, i32
  }
}

module attributes {stable_mosaic.version = 14 : i64} {
  func.func @_tc_final_body(%arg0: i32, %arg1: memref<2x2048x16xf32, #tpu.memory_space<vmem>>, %arg2: memref<2x2048x128xf32, #tpu.memory_space<vmem>>, %arg3: memref<2048x128xf32, #tpu.memory_space<vmem>>, %arg4: memref<1x128xf32, #tpu.memory_space<vmem>>, %arg5: memref<2048x128xf32, #tpu.memory_space<vmem>>) attributes {dimension_semantics = [#tpu.dimension_semantics<arbitrary>], iteration_bounds = array<i64: 5>, scalar_prefetch = 0 : i64, scratch_operands = 0 : i64, tpu.core_type = #tpu.core_type<tc>, window_params = [{transform_indices = @transform_0, window_bounds = array<i64: 2, 2048, 16>}, {transform_indices = @transform_1, window_bounds = array<i64: 2, 2048, 128>}, {transform_indices = @transform_2, window_bounds = array<i64: 2048, 128>}, {pipeline_mode = #tpu.pipeline_mode<synchronous>, transform_indices = @transform_3, window_bounds = array<i64: 1, 128>}, {transform_indices = @transform_4, window_bounds = array<i64: 2048, 128>}]} {
    %get3A = arith.constant 0 : index
    %get3A_0 = arith.constant 0 : index
    %get3A_1 = arith.constant 0 : index
    %get3A_2 = vector.load %arg1[%get3A, %get3A_0, %get3A_1] : memref<2x2048x16xf32, #tpu.memory_space<vmem>>, vector<2x2048x16xf32>
    %slice3A = vector.extract_strided_slice %get3A_2 {offsets = [0, 0, 0], sizes = [1, 2048, 1], strides = [1, 1, 1]} : vector<2x2048x16xf32> to vector<1x2048x1xf32>
    %squeeze3A = vector.shape_cast %slice3A : vector<1x2048x1xf32> to vector<2048x1xf32>
    %slice3A_3 = vector.extract_strided_slice %get3A_2 {offsets = [1, 0, 0], sizes = [1, 2048, 1], strides = [1, 1, 1]} : vector<2x2048x16xf32> to vector<1x2048x1xf32>
    %squeeze3A_4 = vector.shape_cast %slice3A_3 : vector<1x2048x1xf32> to vector<2048x1xf32>
    %add3A = arith.addf %squeeze3A, %squeeze3A_4 : vector<2048x1xf32>
    %add3A_5 = arith.constant 1.000000e+00 : f32
    %add3A_6 = vector.broadcast %add3A_5 : f32 to vector<2048x1xf32>
    %add3A_7 = arith.addf %add3A, %add3A_6 : vector<2048x1xf32>
    %rsqrt3A = math.rsqrt %add3A_7 : vector<2048x1xf32>
    %get3A_8 = arith.constant 0 : index
    %get3A_9 = arith.constant 0 : index
    %get3A_10 = arith.constant 0 : index
    %get3A_11 = vector.load %arg2[%get3A_8, %get3A_9, %get3A_10] : memref<2x2048x128xf32, #tpu.memory_space<vmem>>, vector<2x2048x128xf32>
    %slice3A_12 = vector.extract_strided_slice %get3A_11 {offsets = [0, 0, 0], sizes = [1, 2048, 128], strides = [1, 1, 1]} : vector<2x2048x128xf32> to vector<1x2048x128xf32>
    %squeeze3A_13 = vector.shape_cast %slice3A_12 : vector<1x2048x128xf32> to vector<2048x128xf32>
    %slice3A_14 = vector.extract_strided_slice %get3A_11 {offsets = [1, 0, 0], sizes = [1, 2048, 128], strides = [1, 1, 1]} : vector<2x2048x128xf32> to vector<1x2048x128xf32>
    %squeeze3A_15 = vector.shape_cast %slice3A_14 : vector<1x2048x128xf32> to vector<2048x128xf32>
    %add3A_16 = arith.addf %squeeze3A_13, %squeeze3A_15 : vector<2048x128xf32>
    %get3A_17 = arith.constant 0 : index
    %get3A_18 = arith.constant 0 : index
    %get3A_19 = vector.load %arg3[%get3A_17, %get3A_18] : memref<2048x128xf32, #tpu.memory_space<vmem>>, vector<2048x128xf32>
    %sub3A = arith.subf %add3A_16, %get3A_19 : vector<2048x128xf32>
    %mul3A = vector.broadcast %rsqrt3A : vector<2048x1xf32> to vector<2048x128xf32>
    %mul3A_20 = arith.mulf %sub3A, %mul3A : vector<2048x128xf32>
    %get3A_21 = arith.constant 0 : index
    %get3A_22 = arith.constant 0 : index
    %get3A_23 = vector.load %arg4[%get3A_21, %get3A_22] : memref<1x128xf32, #tpu.memory_space<vmem>>, vector<1x128xf32>
    %add3A_24 = vector.broadcast %get3A_23 : vector<1x128xf32> to vector<2048x128xf32>
    %add3A_25 = arith.addf %mul3A_20, %add3A_24 : vector<2048x128xf32>
    %swap3A = arith.constant 0 : index
    %swap3A_26 = arith.constant 0 : index
    %swap3A_27 = vector.load %arg5[%swap3A, %swap3A_26] : memref<2048x128xf32, #tpu.memory_space<vmem>>, vector<2048x128xf32>
    tpu.vector_store %arg5[%swap3A, %swap3A_26], %add3A_25 {strides = array<i32>} : memref<2048x128xf32, #tpu.memory_space<vmem>>, vector<2048x128xf32>,
    return
  }
  func.func @transform_0(%arg0: i32) -> (i32, i32, i32) {
    %c0_i32 = arith.constant 0 : i32
    %c0_i32_0 = arith.constant 0 : i32
    %c0_i32_1 = arith.constant 0 : i32
    return %c0_i32, %arg0, %c0_i32_0 : i32, i32, i32
  }
  func.func @transform_1(%arg0: i32) -> (i32, i32, i32) {
    %c0_i32 = arith.constant 0 : i32
    %c0_i32_0 = arith.constant 0 : i32
    %c0_i32_1 = arith.constant 0 : i32
    return %c0_i32, %arg0, %c0_i32_0 : i32, i32, i32
  }
  func.func @transform_2(%arg0: i32) -> (i32, i32) {
    %c0_i32 = arith.constant 0 : i32
    %c0_i32_0 = arith.constant 0 : i32
    return %arg0, %c0_i32 : i32, i32
  }
  func.func @transform_3(%arg0: i32) -> (i32, i32) {
    %c0_i32 = arith.constant 0 : i32
    %c0_i32_0 = arith.constant 0 : i32
    %c0_i32_1 = arith.constant 0 : i32
    return %c0_i32, %c0_i32_0 : i32, i32
  }
  func.func @transform_4(%arg0: i32) -> (i32, i32) {
    %c0_i32 = arith.constant 0 : i32
    %c0_i32_0 = arith.constant 0 : i32
    return %arg0, %c0_i32 : i32, i32
  }
}

</mosaic_0001>

<sc_bundles>
// kernel: kernel.11.cloned.1.call-start
scs
__scs_entry_jumppad:
0x0: {  	(pc) =	sbr.rel $0x88, $3  }
0x1: {  	(tag) =	ssettag $0x0;
	lr =	simm.s32 $0x1  }
0x2: {  	[smem:$0x3F9B] =	sst lr;
	_ =	strace $0xD0000000  }
0x3: {  	_ = 	snop  }
0x4: {  	_ = 	snop  }
0x5: {  	_ = 	snop  }
0x6: {  	_ = 	snop  }
0x7: {  	_ = 	snop  }
__scs_overlays_trampoline_lowered:
0x8: {  	[smem:$0x3FAA] =	sst s0  }
0x9: {  	[smem:$0x3FAB] =	sst s1  }
0xa: {  	[smem:$0x3FAC] =	sst s2  }
0xb: {  	[smem:$0x3FAD] =	sst s3  }
0xc: {  	[smem:$0x3FAE] =	sst s4  }
0xd: {  	[smem:$0x3FAF] =	sst s5  }
0xe: {  	[smem:$0x3FB0] =	sst s6  }
0xf: {  	[smem:$0x3FB1] =	sst s7  }
0x10: {  	[smem:$0x3FB2] =	sst s8  }
0x11: {  	[smem:$0x3FB3] =	sst s9;
	s0 =	simm.s32 @!p0 $0x0  }
0x12: {  	s1 =	sld [smem:$0x3F99];
	s0 =	simm.s32 @p0 $0x1  }
0x13: {  	[smem:$0x3FB4] =	sst s0;
	s0 =	simm.s32 @!p1 $0x0  }
0x14: {  	s2 =	sld [smem:$0x3F98];
	s0 =	simm.s32 @p1 $0x1  }
0x15: {  	[smem:$0x3FB5] =	sst s0;
	s0 =	simm.s32 @!p2 $0x0  }
0x16: {  	s3 =	sld [smem:$0x3FDB];
	s0 =	simm.s32 @p2 $0x1  }
0x17: {  	s4 =	simm.s32 $0x1BF5;
	[smem:$0x3FB7] =	sst s0  }
0x18: {  	s0 =	sld [smem:$0x3F9A];
	_ =	swait.ge [sflag:s4], $0x0  }
0x19: {  	s7 =	sld [smem:$0x3F9B]  }
0x1a: {  	s8 =	sadd.s32 $0xFFFFE003, lr  }
0x1b: {  	s9 =	sadd.s32 $0xFFFFFEF7, lr;
	s5 =	simm.s32 $0xFFFFFFFF;
	p2 =	slt.u32 s8, $0xFFFFF086  }
0x1c: {  	p1 =	slt.u32 s9, $0xF7A;
	s5 =	simm.s32 @!p2 $0x0  }
0x1d: {  	s5 =	simm.s32 @p1 $0x1;
	p0 =	seq.s32 s7, s2  }
0x1e: {  	s7 =	smul.u32 @!p0 $0xF7A, s2;
	p2 =	seq.s32 @!p0 s5, $0x0  }
0x1f: {  	s9 =	smul.u32 $0xF7A, s1;
	s8 =	simm.s32 @!p0 $0x1BF5;
	p2 =	por !p2, p0  }
0x20: {  	[sflag:s8] =	ssyncset.s32 @!p0 $0xFFFFF086;
	s6 =	sadd.s32 @!p0 s3, s7;
	s7 =	simm.s32 @!p0 $0x108  }
0x21: {  	s3 =	sadd.s32 s3, s9;
	s6 =	sadd.s32 @!p0 $0x88, s6;
	s7 =	simm.s32 @p2 $0x1082  }
0x22: {  	[simem:s7], [sflag:s8] =	dma.local @!p0 [hbm:s6], $0xF7A  }
0x23: {  	s9 =	sor.u32 $0xD0000000, s2;
	s6 =	simm.s32 $0x108;
	_ =	swait.ge @!p0 [sflag:s8], $0x0  }
0x24: {  	s3 =	sadd.s32 $0x88, s3;
	s6 =	simm.s32 @!p1 $0x1082;
	[sflag:s4] =	ssyncset.s32 $0xFFFFF086  }
0x25: {  	[simem:s6], [sflag:s4] =	dma.local [hbm:s3], $0xF7A  }
0x26: {  	[smem:$0x3F9B] =	sst s1;
	(tag) =	ssettag s2;
	_ =	strace s9  }
0x27: {  	s1 =	sld [smem:$0x3FAB]  }
0x28: {  	s2 =	sld [smem:$0x3FAC]  }
0x29: {  	s4 =	sld [smem:$0x3FAE]  }
0x2a: {  	p0 =	seq.s32 s5, $0x0;
	s5 =	sld [smem:$0x3FAF]  }
0x2b: {  	s6 =	sld [smem:$0x3FB0]  }
0x2c: {  	s7 =	sld [smem:$0x3FB1]  }
0x2d: {  	s3 =	simm.s32 $0x108;
	s8 =	sld [smem:$0x3FB2]  }
0x2e: {  	s3 =	simm.s32 @!p0 $0x1082;
	s9 =	sld [smem:$0x3FB3]  }
0x2f: {  	lr =	sadd.s32 s0, s3;
	s0 =	sld [smem:$0x3FAA]  }
0x30: {  	s3 =	sld [smem:$0x3FAD]  }
0x31: {  	[smem:$0x3FB6] =	sst s10  }
0x32: {  	s10 =	sld [smem:$0x3FB4];
	_ =	sdelay $0x3  }
0x33: {  	p0 =	seq.s32 s10, $0x1;
	s10 =	sld [smem:$0x3FB6];
	_ =	sdelay $0x3  }
0x34: {  	[smem:$0x3FB6] =	sst s10  }
0x35: {  	s10 =	sld [smem:$0x3FB5];
	_ =	sdelay $0x3  }
0x36: {  	p1 =	seq.s32 s10, $0x1;
	s10 =	sld [smem:$0x3FB6];
	_ =	sdelay $0x3  }
0x37: {  	[smem:$0x3FB6] =	sst s10  }
0x38: {  	s10 =	sld [smem:$0x3FB7]  }
0x39: {  	_ = 	snop;
	(pc) =	sbr.ind lr, $3  }
0x3a: {  	_ = 	snop  }
0x3b: {  	_ = 	snop  }
0x3c: {  	p2 =	seq.s32 s10, $0x1;
	s10 =	sld [smem:$0x3FB6]  }
0x3d: {  	_ =	shalt  }
0x3e: {  	_ =	shalt  }
0x3f: {  	_ =	shalt  }
0x40: {  	_ =	shalt  }
0x41: {  	_ =	shalt  }
0x42: {  	_ =	shalt  }
0x43: {  	_ =	shalt  }
0x44: {  	_ =	shalt  }
0x45: {  	_ =	shalt  }
0x46: {  	_ =	shalt  }
0x47: {  	_ =	shalt  }
0x48: {  	_ =	shalt  }
0x49: {  	_ =	shalt  }
0x4a: {  	_ =	shalt  }
0x4b: {  	_ =	shalt  }
0x4c: {  	_ =	shalt  }
0x4d: {  	_ =	shalt  }
0x4e: {  	_ =	shalt  }
0x4f: {  	_ =	shalt  }
0x50: {  	_ =	shalt  }
0x51: {  	_ =	shalt  }
0x52: {  	_ =	shalt  }
0x53: {  	_ =	shalt  }
0x54: {  	_ =	shalt  }
0x55: {  	_ =	shalt  }
0x56: {  	_ =	shalt  }
0x57: {  	_ =	shalt  }
0x58: {  	_ =	shalt  }
0x59: {  	_ =	shalt  }
0x5a: {  	_ =	shalt  }
0x5b: {  	_ =	shalt  }
0x5c: {  	_ =	shalt  }
0x5d: {  	_ =	shalt  }
0x5e: {  	_ =	shalt  }
0x5f: {  	_ =	shalt  }
0x60: {  	_ =	shalt  }
0x61: {  	_ =	shalt  }
0x62: {  	_ =	shalt  }
0x63: {  	_ =	shalt  }
0x64: {  	_ =	shalt  }
0x65: {  	_ =	shalt  }
0x66: {  	_ =	shalt  }
0x67: {  	_ =	shalt  }
0x68: {  	_ =	shalt  }
0x69: {  	_ =	shalt  }
0x6a: {  	_ =	shalt  }
0x6b: {  	_ =	shalt  }
0x6c: {  	_ =	shalt  }
0x6d: {  	_ =	shalt  }
0x6e: {  	_ =	shalt  }
0x6f: {  	_ =	shalt  }
0x70: {  	_ =	shalt  }
0x71: {  	_ =	shalt  }
0x72: {  	_ =	shalt  }
0x73: {  	_ =	shalt  }
0x74: {  	_ =	shalt  }
0x75: {  	_ =	shalt  }
0x76: {  	_ =	shalt  }
0x77: {  	_ =	shalt  }
0x78: {  	_ =	shalt  }
0x79: {  	_ =	shalt  }
0x7a: {  	_ =	shalt  }
0x7b: {  	_ =	shalt  }
0x7c: {  	_ =	shalt  }
0x7d: {  	_ =	shalt  }
0x7e: {  	_ =	shalt  }
0x7f: {  	_ =	shalt  }
0x80: {  	_ =	shalt  }
0x81: {  	_ =	shalt  }
0x82: {  	_ =	shalt  }
0x83: {  	_ =	shalt  }
0x84: {  	_ =	shalt  }
0x85: {  	_ =	shalt  }
0x86: {  	_ =	shalt  }
0x87: {  	_ =	shalt  }
.Lfunc_end0:
.L_simem_size_0:
called_computation.1_lowered:
.L_overlay_start_0:
0x88: {  	s2 =	sld [smem:$0x3FD9]  }
0x89: {  	s3 =	sld [smem:$0x3FFE];
	_ =	sdelay $0x1  }
0x8a: {  	s1 =	srdreg.scid  }
0x8b: {  	s0 =	sand.u32 $0x1, s1  }
0x8c: {  	s16 =	sshll.u32 s0, $0xA;
	s2 =	sadd.s32 s3, s2  }
0x8d: {  	s2 =	sadd.s32 s2, s16  }
0x8e: {  	[smem:$0x3FC2] =	sst s2  }
0x8f: {  	_ = 	snop  }
0x90: {  	(tm) =	ssettm $0x1  }
0x91: {  	s17 =	sld [smem:$0x3FFB];
	_ =	sdelay $0x3  }
0x92: {  	_ =	strace s17  }
0x93: {  	s2 =	sld [smem:$0x3FFC];
	_ =	sdelay $0x3  }
0x94: {  	_ =	strace s2  }
0x95: {  	s2 =	sld [smem:$0x3FFD];
	_ =	sdelay $0x3  }
0x96: {  	_ =	strace s2  }
0x97: {  	_ =	strace $0x8FFFFFFF  }
0x98: {  	s18 =	sld [smem:$0x3FDB];
	_ =	sdelay $0x1  }
0x99: {  	s19 =	simm.s32 $_scs_section_size  }
0x9a: {  	s4 =	simm.s32 $_size__tile_overlayer_lowered;
	s5 =	simm.s32 $_tile_overlayer_lowered  }
0x9b: {  	s22 =	simm.s32 $0x1BFF;
	s21 =	sshll.u32 s5, $0x1;
	s2 =	sadd.s32 s19, s18  }
0x9c: {  	s6 =	simm.s32 $0x0;
	s20 =	sshll.u32 s4, $0x1;
	s4 =	sadd.s32 s21, s2  }
0x9d: {  	[timem:s6], [sflag:s22] =	dma.local [hbm:s4], s20  }
0x9e: {  	_ =	swait.ge [sflag:s22], s20  }
0x9f: {  	s3 =	ssub.s32 $0x0, s20;
	[sflag:s22] =	ssyncset.done $0x0  }
0xa0: {  	[sflag:s22] =	ssyncadd.s32 s3;
	_ =	sdelay $0x1  }
0xa1: {  	s23 =	simm.s32 $0x1B8B  }
0xa2: {  	_ =	swait.ge [sflag:s23], $0x1  }
0xa3: {  	[sflag:s23] =	ssyncset.done $0x0  }
0xa4: {  	s25 =	simm.s32 $0x1B8E;
	s24 =	sld [smem:$0x3FFE];
	[sflag:s23] =	ssyncadd.s32 $0xFFFFFFFF  }
0xa5: {  	s26 =	simm.s32 $execute0_lowered;
	[smem:$0x3FD2] =	sst s25  }
0xa6: {  	s4 =	sshll.u32 s26, $0x1;
	_ =	strace $0x80000049;
	[dreg:$0x1] =	wrdreg $0xFFFFFFFF  }
0xa7: {  	s28 =	simm.s32 $_size_execute0_lowered;
	s2 =	sadd.s32 s2, s4;
	[dreg:$0x0] =	wrdreg $0x0  }
0xa8: {  	s4 =	sshll.u32 s28, $0x1;
	[dreg:$0x2] =	wrdreg s2  }
0xa9: {  	[dreg:$0x3] =	wrdreg s4  }
0xaa: {  	[dreg:$0x4] =	wrdreg $0xC0  }
0xab: {  	_ =	task [dreg:s6], $0x5FFFF  }
0xac: {  	[dreg:$0x1] =	wrdreg $0xFFFFFFFF  }
0xad: {  	[dreg:$0x0] =	wrdreg $0x60  }
0xae: {  	[dreg:$0x2] =	wrdreg s24  }
0xaf: {  	[dreg:$0x3] =	wrdreg $0x0  }
0xb0: {  	[dreg:$0x4] =	wrdreg $0x9  }
0xb1: {  	_ =	task.clear_ibuf [dreg:s6], $0x5FFFF;
	_ =	strace $0x90000049  }
0xb2: {  	s29 =	simm.s32 $0x9;
	_ =	strace $0x8000004B  }
0xb3: {  	_ =	swait.ge [sflag:s29], $0x1  }
0xb4: {  	[sflag:s29] =	ssyncadd.s32 $0xFFFFFFFF  }
0xb5: {  	_ =	strace $0x9000004B  }
0xb6: {  	_ =	sfence  }
0xb7: {  	s30 =	sld [smem:$0x0];
	_ =	sdelay $0x2  }
0xb8: {  	s31 =	sshll.u32 s1, $0xD;
	s1 =	sshrl.u32 s1, $0x2  }
0xb9: {  	s3 =	sand.u32 $0x4000, s31;
	s1 =	sadd.s32 s1, s30  }
0xba: {  	s0 =	sor.u32 s3, s0;
	s1 =	sshll.u32 s1, $0x11  }
0xbb: {  	s0 =	sor.u32 s1, s0  }
0xbc: {  	s0 =	sadd.s32 $0x8F2B, s0  }
0xbd: {  	[sflag:s0] =	ssyncadd.remote.s32 $0x1  }
0xbe: {  	_ =	sfence.sel $0xFFFF  }
0xbf: {  	[dreg:$0x0] =	wrdreg $0xFFFFFFFF;
	(pc) =	sbr.abs _section_cstart, $3  }
0xc0: {  	[dreg:$0x1] =	wrdreg $0xFFFFFFFF  }
0xc1: {  	_ =	task.clear_ibuf [dreg:s6], $0x2FFFF;
	_ =	strace $0x9FFFFFFF  }
0xc2: {  	(tm) =	ssettm $0x7FFFFFFF  }
0xc3: {  	_ =	shalt  }
tec
execute0_lowered:
.L_overlay_start_1:
0x0: {  	(tag) =	ssettag $0x1  }
0x1: {  	s0 =	rddreg [dreg:$0x0]  }
0x2: {  	s2 =	rddreg [dreg:$0x1];
	s1 =	srdreg.scid  }
0x3: {  	s11 =	stileid.u32;
	s3 =	simm.s32 $0x0;
	s16 =	simm.s32 $0x4  }
0x4: {  	s17 =	simm.s32 $0x1C000;
	s18 =	simm.s32 $0x1C100;
	s19 =	simm.s32 $0x1C080  }
0x5: {  	s28 =	simm.s32 $0x1CA00;
	s29 =	simm.s32 $0x1CA80;
	s30 =	simm.s32 $0x10  }
0x6: {  	s31 =	simm.s32 $0x1C200;
	s1 =	sand.u32 $0x1, s1;
	s5 =	smul.u32 $0x14000, s11  }
0x7: {  	[smem:$0x7FF] =	sst s3;
	s4 =	sadd.s32 $0x15C00, s0;
	s9 =	smul.u32 $0x50000, s11  }
0x8: {  	s7 =	sadd.s32 $0x2000, s0;
	s13 =	sadd.s32 $0xBE00, s0;
	s21 =	smul.u32 $0x4E20, s11  }
0x9: {  	s8 =	sshll.u32 s11, $0x1;
	s23 =	sshll.u32 s11, $0x6;
	s6 =	smul.u32 $0x140000, s1  }
0xa: {  	s20 =	ssub.s32 $0x2, s1;
	s8 =	sor.u32 s1, s8;
	s1 =	smul.u32 $0x2710, s1  }
0xb: {  	_ =	strace $0x8000004A;
	s10 =	sshrl.u32 s20, $0x1;
	s8 =	smul.u32 $0x2710, s8  }
0xc: {  	s9 =	sshrl.u32 s9, $0x2;
	s6 =	sadd.s32 s5, s6;
	s10 =	ssub.s32 s20, s10  }
0xd: {  	s15 =	sadd.s32 s9, s2;
	s5 =	sshrl.u32 s5, $0x3;
	s1 =	sadd.s32 s1, s21  }
0xe: {  	s20 =	simm.s32 $0x1C180;
	s21 =	simm.s32 $0x1;
	s6 =	sshrl.u32 s6, $0x3  }
0xf: {  	s22 =	sshrl.u32 s8, $0x3;
	s5 =	sadd.s32 s4, s5;
	s26 =	sadd.s32 $0x80, s1  }
0x10: {  	s10 =	smax.u32 s10, $0x1;
	s1 =	sshrl.u32 s1, $0x3;
	s15 =	sshrl.u32 s15, $0x3  }
0x11: {  	s0 =	sadd.s32 s6, s0;
	[dreg:$0x3] =	wrdreg s5;
	s8 =	sadd.s32 $0x4E0, s22  }
0x12: {  	s6 =	sor.u32 $0x1C04, s23;
	s14 =	sadd.s32 s1, s7;
	s24 =	sadd.s32 s7, s8  }
0x13: {  	s22 =	simm.s32 $0x80;
	s25 =	sadd.s32 s13, s8;
	[dreg:$0x4] =	wrdreg s24  }
0x14: {  	s23 =	simm.s32 $0x14000;
	s0 =	sadd.s32 $0x3DC00, s0;
	[dreg:$0x5] =	wrdreg s25  }
0x15: {  	[dreg:$0x6] =	wrdreg s0;
	s0 =	sshrl.u32 s26, $0x3;
	s24 =	simm.s32 $0x18000  }
0x16: {  	s25 =	simm.s32 $0x2;
	s26 =	simm.s32 $0x3;
	s11 =	sadd.s32 s0, s13  }
0x17: {  	s12 =	sadd.s32 s0, s7;
	s13 =	sadd.s32 s1, s13;
	s0 =	simm.s32 $0x0  }
.LBB2_1:
0x18: {  	s1 =	rddreg [dreg:$0x3]  }
0x19: {  	[spmem:s15], [sflag:s6] =	dma.local [hbm:s1], $0x2800  }
0x1a: {  	_ =	swait.ge [sflag:s16], $0x2800  }
0x1b: {  	[sflag:s16] =	ssyncset.done $0x0  }
0x1c: {  	[sflag:s16] =	ssyncadd.s32 $0xFFFFD800  }
0x1d: {  	s5 =	sadd.s32 $0x0, s14;
	[bflag:$0x0] =	sbarrier.arrive $0xFFFF  }
0x1e: {  	[tilespmem:s17], [sflag:$0x1] =	stream.linear.gather [hbm4b:s5+s3], $0x80, $0x38;
	[tilespmem:$0x1CB00] =	vst v63  }
0x1f: {  	s7 =	sadd.s32 $0x0, s13  }
0x20: {  	[tilespmem:s18], [sflag:$0x1] =	stream.linear.gather [hbm4b:s7+s3], $0x80, $0x38;
	[tilespmem:$0x1CB00] =	vst v63  }
0x21: {  	s8 =	sadd.s32 $0x0, s12  }
0x22: {  	[tilespmem:s19], [sflag:$0x1] =	stream.linear.gather [hbm4b:s8+s3], $0x80, $0x38;
	[tilespmem:$0x1CB00] =	vst v63  }
0x23: {  	s9 =	sadd.s32 $0x0, s11  }
0x24: {  	[tilespmem:s20], [sflag:$0x1] =	stream.linear.gather [hbm4b:s9+s3], $0x80, $0x38;
	[tilespmem:$0x1CB00] =	vst v63  }
0x25: {  	_ =	swait.ge [sflag:s21], $0x80  }
0x26: {  	[sflag:s21] =	ssyncset.done $0x0  }
0x27: {  	[sflag:s21] =	ssyncadd.s32 $0xFFFFFF80  }
0x28: {  	[tilespmem:s23], [sflag:$0x2] =	stream.indirect.gather [hbm4b:s4+s22], $0x80, s17, s22, $0xb8;
	[tilespmem:$0x1CB00] =	vst v63  }
0x29: {  	_ =	swait.ge [sflag:s21], $0x80  }
0x2a: {  	[sflag:s21] =	ssyncset.done $0x0  }
0x2b: {  	[sflag:s21] =	ssyncadd.s32 $0xFFFFFF80  }
0x2c: {  	[tilespmem:s24], [sflag:$0x2] =	stream.indirect.gather [hbm4b:s4+s22], $0x80, s19, s22, $0xb8;
	[tilespmem:$0x1CB00] =	vst v63  }
0x2d: {  	_ =	swait.ge [sflag:s25], $0x4000  }
0x2e: {  	[sflag:s25] =	ssyncset.done $0x0  }
0x2f: {  	[sflag:s25] =	ssyncadd.s32 $0xFFFFC000  }
0x30: {  	_ =	swait.ge [sflag:s21], $0x80  }
0x31: {  	[sflag:s21] =	ssyncset.done $0x0  }
0x32: {  	[sflag:s21] =	ssyncadd.s32 $0xFFFFFF80  }
0x33: {  	[spmem:s2] =	stream.indirect.scatter.add.f32 [tilespmem:s23], [sflag:$0x3], $0x80, s18, s22, $0xb8;
	[tilespmem:$0x1CB00] =	vst v63  }
0x34: {  	_ =	swait.ge [sflag:s25], $0x4000  }
0x35: {  	[sflag:s25] =	ssyncset.done $0x0  }
0x36: {  	[sflag:s25] =	ssyncadd.s32 $0xFFFFC000  }
0x37: {  	_ =	swait.ge [sflag:s21], $0x80  }
0x38: {  	[sflag:s21] =	ssyncset.done $0x0  }
0x39: {  	[sflag:s21] =	ssyncadd.s32 $0xFFFFFF80  }
0x3a: {  	[spmem:s2] =	stream.indirect.scatter.add.f32 [tilespmem:s24], [sflag:$0x3], $0x80, s20, s22, $0xb8;
	[tilespmem:$0x1CB00] =	vst v63  }
0x3b: {  	_ =	swait.ge [sflag:s26], $0x4000  }
0x3c: {  	[sflag:s26] =	ssyncset.done $0x0  }
0x3d: {  	[sflag:s26] =	ssyncadd.s32 $0xFFFFC000  }
0x3e: {  	_ =	swait.ge [sflag:s26], $0x4000  }
0x3f: {  	s1 =	simm.s32 $0x20;
	s5 =	simm.s32 $0x40;
	[sflag:s26] =	ssyncset.done $0x0  }
.LBB2_2:
0x40: {  	s8 =	sadd.s32 s1, s14  }
0x41: {  	[sflag:s26] =	ssyncadd.s32 $0xFFFFC000;
	s9 =	smov.u32 s5;
	s7 =	sadd.s32 $0x20, s5  }
0x42: {  	[tilespmem:s17], [sflag:$0x1] =	stream.linear.gather [hbm4b:s8+s3], $0x80, $0x38;
	[tilespmem:$0x1CB00] =	vst v63  }
0x43: {  	p0 =	sne.s32 s5, $0x4C0;
	s5 =	sadd.s32 s1, s13  }
0x44: {  	[tilespmem:s18], [sflag:$0x1] =	stream.linear.gather [hbm4b:s5+s3], $0x80, $0x38;
	[tilespmem:$0x1CB00] =	vst v63  }
0x45: {  	s5 =	sadd.s32 s1, s12  }
0x46: {  	[tilespmem:s19], [sflag:$0x1] =	stream.linear.gather [hbm4b:s5+s3], $0x80, $0x38;
	[tilespmem:$0x1CB00] =	vst v63  }
0x47: {  	s5 =	sadd.s32 s1, s11;
	s1 =	smov.u32 s9  }
0x48: {  	[tilespmem:s20], [sflag:$0x1] =	stream.linear.gather [hbm4b:s5+s3], $0x80, $0x38;
	[tilespmem:$0x1CB00] =	vst v63  }
0x49: {  	_ =	swait.ge [sflag:s21], $0x80  }
0x4a: {  	[sflag:s21] =	ssyncset.done $0x0  }
0x4b: {  	[sflag:s21] =	ssyncadd.s32 $0xFFFFFF80  }
0x4c: {  	[tilespmem:s23], [sflag:$0x2] =	stream.indirect.gather [hbm4b:s4+s22], $0x80, s17, s22, $0xb8;
	[tilespmem:$0x1CB00] =	vst v63  }
0x4d: {  	_ =	swait.ge [sflag:s21], $0x80  }
0x4e: {  	[sflag:s21] =	ssyncset.done $0x0  }
0x4f: {  	[sflag:s21] =	ssyncadd.s32 $0xFFFFFF80  }
0x50: {  	[tilespmem:s24], [sflag:$0x2] =	stream.indirect.gather [hbm4b:s4+s22], $0x80, s19, s22, $0xb8;
	[tilespmem:$0x1CB00] =	vst v63  }
0x51: {  	_ =	swait.ge [sflag:s25], $0x4000  }
0x52: {  	[sflag:s25] =	ssyncset.done $0x0  }
0x53: {  	[sflag:s25] =	ssyncadd.s32 $0xFFFFC000  }
0x54: {  	_ =	swait.ge [sflag:s21], $0x80  }
0x55: {  	[sflag:s21] =	ssyncset.done $0x0  }
0x56: {  	[sflag:s21] =	ssyncadd.s32 $0xFFFFFF80  }
0x57: {  	[spmem:s2] =	stream.indirect.scatter.add.f32 [tilespmem:s23], [sflag:$0x3], $0x80, s18, s22, $0xb8;
	[tilespmem:$0x1CB00] =	vst v63  }
0x58: {  	_ =	swait.ge [sflag:s25], $0x4000  }
0x59: {  	[sflag:s25] =	ssyncset.done $0x0  }
0x5a: {  	[sflag:s25] =	ssyncadd.s32 $0xFFFFC000  }
0x5b: {  	_ =	swait.ge [sflag:s21], $0x80  }
0x5c: {  	[sflag:s21] =	ssyncset.done $0x0  }
0x5d: {  	[sflag:s21] =	ssyncadd.s32 $0xFFFFFF80  }
0x5e: {  	[spmem:s2] =	stream.indirect.scatter.add.f32 [tilespmem:s24], [sflag:$0x3], $0x80, s20, s22, $0xb8;
	[tilespmem:$0x1CB00] =	vst v63  }
.Ltmp0:
0x5f: {  	_ =	swait.ge [sflag:s26], $0x4000;
	(pc) =	sbr.rel @p0 .LBB2_2-.Ltmp0, $4  }
0x60: {  	[sflag:s26] =	ssyncset.done $0x0  }
0x61: {  	[sflag:s26] =	ssyncadd.s32 $0xFFFFC000  }
0x62: {  	_ =	swait.ge [sflag:s26], $0x4000  }
0x63: {  	s5 =	smov.u32 s7;
	[sflag:s26] =	ssyncset.done $0x0  }
0x64: {  	s5 =	sadd.s32 s1, s14;
	[sflag:s26] =	ssyncadd.s32 $0xFFFFC000  }
0x65: {  	[tilespmem:s17], [sflag:$0x1] =	stream.linear.gather [hbm4b:s5+s3], $0x80, $0x38;
	[tilespmem:$0x1CB00] =	vst v63  }
0x66: {  	s8 =	sadd.s32 s1, s13  }
0x67: {  	[tilespmem:s18], [sflag:$0x1] =	stream.linear.gather [hbm4b:s8+s3], $0x80, $0x38;
	[tilespmem:$0x1CB00] =	vst v63  }
0x68: {  	s9 =	sadd.s32 s1, s12  }
0x69: {  	[tilespmem:s19], [sflag:$0x1] =	stream.linear.gather [hbm4b:s9+s3], $0x80, $0x38;
	[tilespmem:$0x1CB00] =	vst v63  }
0x6a: {  	s5 =	sadd.s32 s1, s11  }
0x6b: {  	[tilespmem:s20], [sflag:$0x1] =	stream.linear.gather [hbm4b:s5+s3], $0x80, $0x38;
	[tilespmem:$0x1CB00] =	vst v63  }
0x6c: {  	_ =	swait.ge [sflag:s21], $0x80  }
0x6d: {  	[sflag:s21] =	ssyncset.done $0x0  }
0x6e: {  	[sflag:s21] =	ssyncadd.s32 $0xFFFFFF80  }
0x6f: {  	[tilespmem:s23], [sflag:$0x2] =	stream.indirect.gather [hbm4b:s4+s22], $0x80, s17, s22, $0xb8;
	[tilespmem:$0x1CB00] =	vst v63  }
0x70: {  	_ =	swait.ge [sflag:s21], $0x80  }
0x71: {  	[sflag:s21] =	ssyncset.done $0x0  }
0x72: {  	[sflag:s21] =	ssyncadd.s32 $0xFFFFFF80  }
0x73: {  	[tilespmem:s24], [sflag:$0x2] =	stream.indirect.gather [hbm4b:s4+s22], $0x80, s19, s22, $0xb8;
	[tilespmem:$0x1CB00] =	vst v63  }
0x74: {  	_ =	swait.ge [sflag:s25], $0x4000  }
0x75: {  	[sflag:s25] =	ssyncset.done $0x0  }
0x76: {  	[sflag:s25] =	ssyncadd.s32 $0xFFFFC000  }
0x77: {  	_ =	swait.ge [sflag:s21], $0x80  }
0x78: {  	[sflag:s21] =	ssyncset.done $0x0  }
0x79: {  	[sflag:s21] =	ssyncadd.s32 $0xFFFFFF80  }
0x7a: {  	[spmem:s2] =	stream.indirect.scatter.add.f32 [tilespmem:s23], [sflag:$0x3], $0x80, s18, s22, $0xb8;
	[tilespmem:$0x1CB00] =	vst v63  }
0x7b: {  	_ =	swait.ge [sflag:s25], $0x4000  }
0x7c: {  	[sflag:s25] =	ssyncset.done $0x0  }
0x7d: {  	[sflag:s25] =	ssyncadd.s32 $0xFFFFC000  }
0x7e: {  	_ =	swait.ge [sflag:s21], $0x80  }
0x7f: {  	[sflag:s21] =	ssyncset.done $0x0  }
0x80: {  	[sflag:s21] =	ssyncadd.s32 $0xFFFFFF80  }
0x81: {  	[spmem:s2] =	stream.indirect.scatter.add.f32 [tilespmem:s24], [sflag:$0x3], $0x80, s20, s22, $0xb8;
	[tilespmem:$0x1CB00] =	vst v63  }
0x82: {  	_ =	swait.ge [sflag:s26], $0x4000  }
0x83: {  	[sflag:s26] =	ssyncset.done $0x0  }
0x84: {  	[sflag:s26] =	ssyncadd.s32 $0xFFFFC000  }
0x85: {  	_ =	swait.ge [sflag:s26], $0x4000  }
0x86: {  	[sflag:s26] =	ssyncset.done $0x0  }
0x87: {  	s7 =	rddreg [dreg:$0x4];
	[sflag:s26] =	ssyncadd.s32 $0xFFFFC000  }
0x88: {  	[tilespmem:s28], [sflag:$0x4] =	stream.linear.gather [hbm4b:s7+s3], $0x10, $0x38;
	[tilespmem:$0x1CB00] =	vst v63  }
0x89: {  	_ =	swait.ge [sflag:s16], $0x10  }
0x8a: {  	[sflag:s16] =	ssyncset.done $0x0  }
0x8b: {  	s8 =	rddreg [dreg:$0x5];
	[sflag:s16] =	ssyncadd.s32 $0xFFFFFFF0  }
0x8c: {  	[tilespmem:s29], [sflag:$0x4] =	stream.linear.gather [hbm4b:s8+s3], $0x10, $0x38;
	[tilespmem:$0x1CB00] =	vst v63  }
0x8d: {  	_ =	swait.ge [sflag:s16], $0x10  }
0x8e: {  	[sflag:s16] =	ssyncset.done $0x0  }
0x8f: {  	[sflag:s16] =	ssyncadd.s32 $0xFFFFFFF0  }
0x90: {  	[tilespmem:s31], [sflag:$0x2] =	stream.indirect.gather [hbm4b:s4+s30], $0x80, s28, s30, $0xb8;
	[tilespmem:$0x1CB00] =	vst v63  }
0x91: {  	_ =	swait.ge [sflag:s25], $0x800  }
0x92: {  	[sflag:s25] =	ssyncset.done $0x0  }
0x93: {  	[sflag:s25] =	ssyncadd.s32 $0xFFFFF800  }
0x94: {  	[spmem:s2] =	stream.indirect.scatter.add.f32 [tilespmem:s31], [sflag:$0x4], $0x80, s29, s30, $0xb8;
	[tilespmem:$0x1CB00] =	vst v63  }
0x95: {  	_ =	swait.ge [sflag:s16], $0x800  }
0x96: {  	[sflag:s16] =	ssyncset.done $0x0  }
0x97: {  	s0 =	sadd.s32 $0x1, s0;
	[sflag:s16] =	ssyncadd.s32 $0xFFFFF800  }
0x98: {  	p0 =	sne.s32 s0, s10;
	[bflag:$0x0] =	sbarrier.arrive $0xFFFF  }
.Ltmp1:
0x99: {  	s9 =	rddreg [dreg:$0x6];
	(pc) =	sbr.rel @p0 .LBB2_1-.Ltmp1, $4  }
0x9a: {  	[hbm:s9], [sflag:s6] =	dma.local [spmem:s15], $0x2800  }
0x9b: {  	_ =	swait.ge [sflag:s16], $0x2800  }
0x9c: {  	[sflag:s16] =	ssyncset.done $0x0  }
0x9d: {  	[sflag:s16] =	ssyncadd.s32 $0xFFFFD800  }
0x9e: {  	_ =	sfence.sel $0x180000  }
0x9f: {  	[bflag:$0x0] =	sbarrier.arrive $0xFFFF  }
0xa0: {  	_ =	strace $0x9000004A  }
0xa1: {  	s0 =	stileid.u32;
	[bflag:$0x2] =	sbarrier.arrive $0xFFFF  }
0xa2: {  	p0 =	sne.s32 s0, $0x0;
	s0 =	rddreg [dreg:$0x2]  }
0xa3: {  	s0 =	sadd.s32 @!p0 $0x100000, s0  }
0xa4: {  	[sflag:s0] =	ssyncadd.tile.s32 @!p0 $0x1;
	_ =	shalt  }
.Lfunc_end2:
_tile_overlayer_lowered:
.L_overlay_start_2:
0xa5: {  	(tag) =	ssettag $0x2  }
0xa6: {  	s0 =	rddreg [dreg:$0x0];
	s2 =	stileid.u32  }
0xa7: {  	s1 =	rddreg [dreg:$0x1];
	p0 =	sne.s32 s2, $0x0  }
0xa8: {  	s3 =	rddreg [dreg:$0x2];
	[bflag:$0x3] =	sbarrier.arrive $0xFFFF;
	s2 =	simm.s32 @!p0 $0x1C04  }
0xa9: {  	[timem:s3], [sflag:s2] =	dma.local @!p0 [hbm:s0], s1  }
0xaa: {  	s0 =	simm.s32 @!p0 $0x4  }
0xab: {  	_ =	swait.ge @!p0 [sflag:s0], s1  }
0xac: {  	s1 =	ssub.s32 @!p0 $0x0, s1;
	[sflag:s0] =	ssyncset.done @!p0 $0x0  }
0xad: {  	[sflag:s0] =	ssyncadd.s32 @!p0 s1  }
0xae: {  	[bflag:$0x3] =	sbarrier.arrive $0xFFFF  }
0xaf: {  	_ =	shalt  }

// kernel: kernel.14.cloned.1.call-start
scs
__scs_entry_jumppad:
0x0: {  	(pc) =	sbr.rel $0x88, $3  }
0x1: {  	(tag) =	ssettag $0x0;
	lr =	simm.s32 $0x1  }
0x2: {  	[smem:$0x3F9B] =	sst lr;
	_ =	strace $0xD0000000  }
0x3: {  	_ = 	snop  }
0x4: {  	_ = 	snop  }
0x5: {  	_ = 	snop  }
0x6: {  	_ = 	snop  }
0x7: {  	_ = 	snop  }
__scs_overlays_trampoline_lowered:
0x8: {  	[smem:$0x3FAA] =	sst s0  }
0x9: {  	[smem:$0x3FAB] =	sst s1  }
0xa: {  	[smem:$0x3FAC] =	sst s2  }
0xb: {  	[smem:$0x3FAD] =	sst s3  }
0xc: {  	[smem:$0x3FAE] =	sst s4  }
0xd: {  	[smem:$0x3FAF] =	sst s5  }
0xe: {  	[smem:$0x3FB0] =	sst s6  }
0xf: {  	[smem:$0x3FB1] =	sst s7  }
0x10: {  	[smem:$0x3FB2] =	sst s8  }
0x11: {  	[smem:$0x3FB3] =	sst s9;
	s0 =	simm.s32 @!p0 $0x0  }
0x12: {  	s1 =	sld [smem:$0x3F99];
	s0 =	simm.s32 @p0 $0x1  }
0x13: {  	[smem:$0x3FB4] =	sst s0;
	s0 =	simm.s32 @!p1 $0x0  }
0x14: {  	s2 =	sld [smem:$0x3F98];
	s0 =	simm.s32 @p1 $0x1  }
0x15: {  	[smem:$0x3FB5] =	sst s0;
	s0 =	simm.s32 @!p2 $0x0  }
0x16: {  	s3 =	sld [smem:$0x3FDB];
	s0 =	simm.s32 @p2 $0x1  }
0x17: {  	s4 =	simm.s32 $0x1BF5;
	[smem:$0x3FB7] =	sst s0  }
0x18: {  	s0 =	sld [smem:$0x3F9A];
	_ =	swait.ge [sflag:s4], $0x0  }
0x19: {  	s7 =	sld [smem:$0x3F9B]  }
0x1a: {  	s8 =	sadd.s32 $0xFFFFE003, lr  }
0x1b: {  	s9 =	sadd.s32 $0xFFFFFEF7, lr;
	s5 =	simm.s32 $0xFFFFFFFF;
	p2 =	slt.u32 s8, $0xFFFFF086  }
0x1c: {  	p1 =	slt.u32 s9, $0xF7A;
	s5 =	simm.s32 @!p2 $0x0  }
0x1d: {  	s5 =	simm.s32 @p1 $0x1;
	p0 =	seq.s32 s7, s2  }
0x1e: {  	s7 =	smul.u32 @!p0 $0xF7A, s2;
	p2 =	seq.s32 @!p0 s5, $0x0  }
0x1f: {  	s9 =	smul.u32 $0xF7A, s1;
	s8 =	simm.s32 @!p0 $0x1BF5;
	p2 =	por !p2, p0  }
0x20: {  	[sflag:s8] =	ssyncset.s32 @!p0 $0xFFFFF086;
	s6 =	sadd.s32 @!p0 s3, s7;
	s7 =	simm.s32 @!p0 $0x108  }
0x21: {  	s3 =	sadd.s32 s3, s9;
	s6 =	sadd.s32 @!p0 $0x88, s6;
	s7 =	simm.s32 @p2 $0x1082  }
0x22: {  	[simem:s7], [sflag:s8] =	dma.local @!p0 [hbm:s6], $0xF7A  }
0x23: {  	s9 =	sor.u32 $0xD0000000, s2;
	s6 =	simm.s32 $0x108;
	_ =	swait.ge @!p0 [sflag:s8], $0x0  }
0x24: {  	s3 =	sadd.s32 $0x88, s3;
	s6 =	simm.s32 @!p1 $0x1082;
	[sflag:s4] =	ssyncset.s32 $0xFFFFF086  }
0x25: {  	[simem:s6], [sflag:s4] =	dma.local [hbm:s3], $0xF7A  }
0x26: {  	[smem:$0x3F9B] =	sst s1;
	(tag) =	ssettag s2;
	_ =	strace s9  }
0x27: {  	s1 =	sld [smem:$0x3FAB]  }
0x28: {  	s2 =	sld [smem:$0x3FAC]  }
0x29: {  	s4 =	sld [smem:$0x3FAE]  }
0x2a: {  	p0 =	seq.s32 s5, $0x0;
	s5 =	sld [smem:$0x3FAF]  }
0x2b: {  	s6 =	sld [smem:$0x3FB0]  }
0x2c: {  	s7 =	sld [smem:$0x3FB1]  }
0x2d: {  	s3 =	simm.s32 $0x108;
	s8 =	sld [smem:$0x3FB2]  }
0x2e: {  	s3 =	simm.s32 @!p0 $0x1082;
	s9 =	sld [smem:$0x3FB3]  }
0x2f: {  	lr =	sadd.s32 s0, s3;
	s0 =	sld [smem:$0x3FAA]  }
0x30: {  	s3 =	sld [smem:$0x3FAD]  }
0x31: {  	[smem:$0x3FB6] =	sst s10  }
0x32: {  	s10 =	sld [smem:$0x3FB4];
	_ =	sdelay $0x3  }
0x33: {  	p0 =	seq.s32 s10, $0x1;
	s10 =	sld [smem:$0x3FB6];
	_ =	sdelay $0x3  }
0x34: {  	[smem:$0x3FB6] =	sst s10  }
0x35: {  	s10 =	sld [smem:$0x3FB5];
	_ =	sdelay $0x3  }
0x36: {  	p1 =	seq.s32 s10, $0x1;
	s10 =	sld [smem:$0x3FB6];
	_ =	sdelay $0x3  }
0x37: {  	[smem:$0x3FB6] =	sst s10  }
0x38: {  	s10 =	sld [smem:$0x3FB7]  }
0x39: {  	_ = 	snop;
	(pc) =	sbr.ind lr, $3  }
0x3a: {  	_ = 	snop  }
0x3b: {  	_ = 	snop  }
0x3c: {  	p2 =	seq.s32 s10, $0x1;
	s10 =	sld [smem:$0x3FB6]  }
0x3d: {  	_ =	shalt  }
0x3e: {  	_ =	shalt  }
0x3f: {  	_ =	shalt  }
0x40: {  	_ =	shalt  }
0x41: {  	_ =	shalt  }
0x42: {  	_ =	shalt  }
0x43: {  	_ =	shalt  }
0x44: {  	_ =	shalt  }
0x45: {  	_ =	shalt  }
0x46: {  	_ =	shalt  }
0x47: {  	_ =	shalt  }
0x48: {  	_ =	shalt  }
0x49: {  	_ =	shalt  }
0x4a: {  	_ =	shalt  }
0x4b: {  	_ =	shalt  }
0x4c: {  	_ =	shalt  }
0x4d: {  	_ =	shalt  }
0x4e: {  	_ =	shalt  }
0x4f: {  	_ =	shalt  }
0x50: {  	_ =	shalt  }
0x51: {  	_ =	shalt  }
0x52: {  	_ =	shalt  }
0x53: {  	_ =	shalt  }
0x54: {  	_ =	shalt  }
0x55: {  	_ =	shalt  }
0x56: {  	_ =	shalt  }
0x57: {  	_ =	shalt  }
0x58: {  	_ =	shalt  }
0x59: {  	_ =	shalt  }
0x5a: {  	_ =	shalt  }
0x5b: {  	_ =	shalt  }
0x5c: {  	_ =	shalt  }
0x5d: {  	_ =	shalt  }
0x5e: {  	_ =	shalt  }
0x5f: {  	_ =	shalt  }
0x60: {  	_ =	shalt  }
0x61: {  	_ =	shalt  }
0x62: {  	_ =	shalt  }
0x63: {  	_ =	shalt  }
0x64: {  	_ =	shalt  }
0x65: {  	_ =	shalt  }
0x66: {  	_ =	shalt  }
0x67: {  	_ =	shalt  }
0x68: {  	_ =	shalt  }
0x69: {  	_ =	shalt  }
0x6a: {  	_ =	shalt  }
0x6b: {  	_ =	shalt  }
0x6c: {  	_ =	shalt  }
0x6d: {  	_ =	shalt  }
0x6e: {  	_ =	shalt  }
0x6f: {  	_ =	shalt  }
0x70: {  	_ =	shalt  }
0x71: {  	_ =	shalt  }
0x72: {  	_ =	shalt  }
0x73: {  	_ =	shalt  }
0x74: {  	_ =	shalt  }
0x75: {  	_ =	shalt  }
0x76: {  	_ =	shalt  }
0x77: {  	_ =	shalt  }
0x78: {  	_ =	shalt  }
0x79: {  	_ =	shalt  }
0x7a: {  	_ =	shalt  }
0x7b: {  	_ =	shalt  }
0x7c: {  	_ =	shalt  }
0x7d: {  	_ =	shalt  }
0x7e: {  	_ =	shalt  }
0x7f: {  	_ =	shalt  }
0x80: {  	_ =	shalt  }
0x81: {  	_ =	shalt  }
0x82: {  	_ =	shalt  }
0x83: {  	_ =	shalt  }
0x84: {  	_ =	shalt  }
0x85: {  	_ =	shalt  }
0x86: {  	_ =	shalt  }
0x87: {  	_ =	shalt  }
.Lfunc_end0:
.L_simem_size_0:
called_computation.2_lowered:
.L_overlay_start_0:
0x88: {  	s2 =	sld [smem:$0x3FD9]  }
0x89: {  	s3 =	sld [smem:$0x3FFE];
	_ =	sdelay $0x1  }
0x8a: {  	s1 =	srdreg.scid  }
0x8b: {  	s0 =	sand.u32 $0x1, s1  }
0x8c: {  	s16 =	sshll.u32 s0, $0xA;
	s2 =	sadd.s32 s3, s2  }
0x8d: {  	s2 =	sadd.s32 s2, s16  }
0x8e: {  	[smem:$0x3FC2] =	sst s2  }
0x8f: {  	_ = 	snop  }
0x90: {  	(tm) =	ssettm $0x1  }
0x91: {  	s17 =	sld [smem:$0x3FFB];
	_ =	sdelay $0x3  }
0x92: {  	_ =	strace s17  }
0x93: {  	s2 =	sld [smem:$0x3FFC];
	_ =	sdelay $0x3  }
0x94: {  	_ =	strace s2  }
0x95: {  	s2 =	sld [smem:$0x3FFD];
	_ =	sdelay $0x3  }
0x96: {  	_ =	strace s2  }
0x97: {  	_ =	strace $0x8FFFFFFF  }
0x98: {  	s18 =	sld [smem:$0x3FDB];
	_ =	sdelay $0x1  }
0x99: {  	s19 =	simm.s32 $_scs_section_size  }
0x9a: {  	s4 =	simm.s32 $_size__tile_overlayer_lowered;
	s5 =	simm.s32 $_tile_overlayer_lowered  }
0x9b: {  	s22 =	simm.s32 $0x1BFF;
	s21 =	sshll.u32 s5, $0x1;
	s2 =	sadd.s32 s19, s18  }
0x9c: {  	s6 =	simm.s32 $0x0;
	s20 =	sshll.u32 s4, $0x1;
	s4 =	sadd.s32 s21, s2  }
0x9d: {  	[timem:s6], [sflag:s22] =	dma.local [hbm:s4], s20  }
0x9e: {  	_ =	swait.ge [sflag:s22], s20  }
0x9f: {  	s3 =	ssub.s32 $0x0, s20;
	[sflag:s22] =	ssyncset.done $0x0  }
0xa0: {  	[sflag:s22] =	ssyncadd.s32 s3;
	_ =	sdelay $0x1  }
0xa1: {  	s23 =	simm.s32 $0x1B8B  }
0xa2: {  	_ =	swait.ge [sflag:s23], $0x1  }
0xa3: {  	[sflag:s23] =	ssyncset.done $0x0  }
0xa4: {  	s25 =	simm.s32 $0x1B8E;
	s24 =	sld [smem:$0x3FFE];
	[sflag:s23] =	ssyncadd.s32 $0xFFFFFFFF  }
0xa5: {  	s26 =	simm.s32 $execute0_lowered;
	[smem:$0x3FD2] =	sst s25  }
0xa6: {  	s4 =	sshll.u32 s26, $0x1;
	_ =	strace $0x8000004C;
	[dreg:$0x1] =	wrdreg $0xFFFFFFFF  }
0xa7: {  	s28 =	simm.s32 $_size_execute0_lowered;
	s2 =	sadd.s32 s2, s4;
	[dreg:$0x0] =	wrdreg $0x0  }
0xa8: {  	s4 =	sshll.u32 s28, $0x1;
	[dreg:$0x2] =	wrdreg s2  }
0xa9: {  	[dreg:$0x3] =	wrdreg s4  }
0xaa: {  	[dreg:$0x4] =	wrdreg $0xC0  }
0xab: {  	_ =	task [dreg:s6], $0x5FFFF  }
0xac: {  	[dreg:$0x1] =	wrdreg $0xFFFFFFFF  }
0xad: {  	[dreg:$0x0] =	wrdreg $0x60  }
0xae: {  	[dreg:$0x2] =	wrdreg s24  }
0xaf: {  	[dreg:$0x3] =	wrdreg $0x0  }
0xb0: {  	[dreg:$0x4] =	wrdreg $0x9  }
0xb1: {  	_ =	task.clear_ibuf [dreg:s6], $0x5FFFF;
	_ =	strace $0x9000004C  }
0xb2: {  	s29 =	simm.s32 $0x9;
	_ =	strace $0x8000004E  }
0xb3: {  	_ =	swait.ge [sflag:s29], $0x1  }
0xb4: {  	[sflag:s29] =	ssyncadd.s32 $0xFFFFFFFF  }
0xb5: {  	_ =	strace $0x9000004E  }
0xb6: {  	_ =	sfence  }
0xb7: {  	s30 =	sld [smem:$0x0];
	_ =	sdelay $0x2  }
0xb8: {  	s31 =	sshll.u32 s1, $0xD;
	s1 =	sshrl.u32 s1, $0x2  }
0xb9: {  	s3 =	sand.u32 $0x4000, s31;
	s1 =	sadd.s32 s1, s30  }
0xba: {  	s0 =	sor.u32 s3, s0;
	s1 =	sshll.u32 s1, $0x11  }
0xbb: {  	s0 =	sor.u32 s1, s0  }
0xbc: {  	s0 =	sadd.s32 $0x8F2B, s0  }
0xbd: {  	[sflag:s0] =	ssyncadd.remote.s32 $0x1  }
0xbe: {  	_ =	sfence.sel $0xFFFF  }
0xbf: {  	[dreg:$0x0] =	wrdreg $0xFFFFFFFF;
	(pc) =	sbr.abs _section_cstart, $3  }
0xc0: {  	[dreg:$0x1] =	wrdreg $0xFFFFFFFF  }
0xc1: {  	_ =	task.clear_ibuf [dreg:s6], $0x2FFFF;
	_ =	strace $0x9FFFFFFF  }
0xc2: {  	(tm) =	ssettm $0x7FFFFFFF  }
0xc3: {  	_ =	shalt  }
tec
execute0_lowered:
.L_overlay_start_1:
0x0: {  	(tag) =	ssettag $0x1  }
0x1: {  	s0 =	rddreg [dreg:$0x0]  }
0x2: {  	s2 =	rddreg [dreg:$0x1];
	s1 =	srdreg.scid  }
0x3: {  	s11 =	stileid.u32;
	s3 =	simm.s32 $0x0;
	s16 =	simm.s32 $0x4  }
0x4: {  	s17 =	simm.s32 $0x1C000;
	s18 =	simm.s32 $0x1C100;
	s19 =	simm.s32 $0x1C080  }
0x5: {  	s28 =	simm.s32 $0x1CA00;
	s29 =	simm.s32 $0x1CA80;
	s30 =	simm.s32 $0x10  }
0x6: {  	s31 =	simm.s32 $0x1C200;
	s1 =	sand.u32 $0x1, s1;
	s5 =	smul.u32 $0x14000, s11  }
0x7: {  	[smem:$0x7FF] =	sst s3;
	s4 =	sadd.s32 $0x15C00, s0;
	s9 =	smul.u32 $0x50000, s11  }
0x8: {  	s7 =	sadd.s32 $0x2000, s0;
	s13 =	sadd.s32 $0xBE00, s0;
	s21 =	smul.u32 $0x4E20, s11  }
0x9: {  	s8 =	sshll.u32 s11, $0x1;
	s23 =	sshll.u32 s11, $0x6;
	s6 =	smul.u32 $0x140000, s1  }
0xa: {  	s20 =	ssub.s32 $0x2, s1;
	s8 =	sor.u32 s1, s8;
	s1 =	smul.u32 $0x2710, s1  }
0xb: {  	_ =	strace $0x8000004D;
	s10 =	sshrl.u32 s20, $0x1;
	s8 =	smul.u32 $0x2710, s8  }
0xc: {  	s9 =	sshrl.u32 s9, $0x2;
	s6 =	sadd.s32 s5, s6;
	s10 =	ssub.s32 s20, s10  }
0xd: {  	s15 =	sadd.s32 s9, s2;
	s5 =	sshrl.u32 s5, $0x3;
	s1 =	sadd.s32 s1, s21  }
0xe: {  	s20 =	simm.s32 $0x1C180;
	s21 =	simm.s32 $0x1;
	s6 =	sshrl.u32 s6, $0x3  }
0xf: {  	s22 =	sshrl.u32 s8, $0x3;
	s5 =	sadd.s32 s4, s5;
	s26 =	sadd.s32 $0x80, s1  }
0x10: {  	s10 =	smax.u32 s10, $0x1;
	s1 =	sshrl.u32 s1, $0x3;
	s15 =	sshrl.u32 s15, $0x3  }
0x11: {  	s0 =	sadd.s32 s6, s0;
	[dreg:$0x3] =	wrdreg s5;
	s8 =	sadd.s32 $0x4E0, s22  }
0x12: {  	s6 =	sor.u32 $0x1C04, s23;
	s14 =	sadd.s32 s1, s7;
	s24 =	sadd.s32 s7, s8  }
0x13: {  	s22 =	simm.s32 $0x80;
	s25 =	sadd.s32 s13, s8;
	[dreg:$0x4] =	wrdreg s24  }
0x14: {  	s23 =	simm.s32 $0x14000;
	s0 =	sadd.s32 $0x3DC00, s0;
	[dreg:$0x5] =	wrdreg s25  }
0x15: {  	[dreg:$0x6] =	wrdreg s0;
	s0 =	sshrl.u32 s26, $0x3;
	s24 =	simm.s32 $0x18000  }
0x16: {  	s25 =	simm.s32 $0x2;
	s26 =	simm.s32 $0x3;
	s11 =	sadd.s32 s0, s13  }
0x17: {  	s12 =	sadd.s32 s0, s7;
	s13 =	sadd.s32 s1, s13;
	s0 =	simm.s32 $0x0  }
.LBB2_1:
0x18: {  	s1 =	rddreg [dreg:$0x3]  }
0x19: {  	[spmem:s15], [sflag:s6] =	dma.local [hbm:s1], $0x2800  }
0x1a: {  	_ =	swait.ge [sflag:s16], $0x2800  }
0x1b: {  	[sflag:s16] =	ssyncset.done $0x0  }
0x1c: {  	[sflag:s16] =	ssyncadd.s32 $0xFFFFD800  }
0x1d: {  	s5 =	sadd.s32 $0x0, s14;
	[bflag:$0x0] =	sbarrier.arrive $0xFFFF  }
0x1e: {  	[tilespmem:s17], [sflag:$0x1] =	stream.linear.gather [hbm4b:s5+s3], $0x80, $0x38;
	[tilespmem:$0x1CB00] =	vst v63  }
0x1f: {  	s7 =	sadd.s32 $0x0, s13  }
0x20: {  	[tilespmem:s18], [sflag:$0x1] =	stream.linear.gather [hbm4b:s7+s3], $0x80, $0x38;
	[tilespmem:$0x1CB00] =	vst v63  }
0x21: {  	s8 =	sadd.s32 $0x0, s12  }
0x22: {  	[tilespmem:s19], [sflag:$0x1] =	stream.linear.gather [hbm4b:s8+s3], $0x80, $0x38;
	[tilespmem:$0x1CB00] =	vst v63  }
0x23: {  	s9 =	sadd.s32 $0x0, s11  }
0x24: {  	[tilespmem:s20], [sflag:$0x1] =	stream.linear.gather [hbm4b:s9+s3], $0x80, $0x38;
	[tilespmem:$0x1CB00] =	vst v63  }
0x25: {  	_ =	swait.ge [sflag:s21], $0x80  }
0x26: {  	[sflag:s21] =	ssyncset.done $0x0  }
0x27: {  	[sflag:s21] =	ssyncadd.s32 $0xFFFFFF80  }
0x28: {  	[tilespmem:s23], [sflag:$0x2] =	stream.indirect.gather [hbm4b:s4+s22], $0x80, s17, s22, $0xb8;
	[tilespmem:$0x1CB00] =	vst v63  }
0x29: {  	_ =	swait.ge [sflag:s21], $0x80  }
0x2a: {  	[sflag:s21] =	ssyncset.done $0x0  }
0x2b: {  	[sflag:s21] =	ssyncadd.s32 $0xFFFFFF80  }
0x2c: {  	[tilespmem:s24], [sflag:$0x2] =	stream.indirect.gather [hbm4b:s4+s22], $0x80, s19, s22, $0xb8;
	[tilespmem:$0x1CB00] =	vst v63  }
0x2d: {  	_ =	swait.ge [sflag:s25], $0x4000  }
0x2e: {  	[sflag:s25] =	ssyncset.done $0x0  }
0x2f: {  	[sflag:s25] =	ssyncadd.s32 $0xFFFFC000  }
0x30: {  	_ =	swait.ge [sflag:s21], $0x80  }
0x31: {  	[sflag:s21] =	ssyncset.done $0x0  }
0x32: {  	[sflag:s21] =	ssyncadd.s32 $0xFFFFFF80  }
0x33: {  	[spmem:s2] =	stream.indirect.scatter.add.f32 [tilespmem:s23], [sflag:$0x3], $0x80, s18, s22, $0xb8;
	[tilespmem:$0x1CB00] =	vst v63  }
0x34: {  	_ =	swait.ge [sflag:s25], $0x4000  }
0x35: {  	[sflag:s25] =	ssyncset.done $0x0  }
0x36: {  	[sflag:s25] =	ssyncadd.s32 $0xFFFFC000  }
0x37: {  	_ =	swait.ge [sflag:s21], $0x80  }
0x38: {  	[sflag:s21] =	ssyncset.done $0x0  }
0x39: {  	[sflag:s21] =	ssyncadd.s32 $0xFFFFFF80  }
0x3a: {  	[spmem:s2] =	stream.indirect.scatter.add.f32 [tilespmem:s24], [sflag:$0x3], $0x80, s20, s22, $0xb8;
	[tilespmem:$0x1CB00] =	vst v63  }
0x3b: {  	_ =	swait.ge [sflag:s26], $0x4000  }
0x3c: {  	[sflag:s26] =	ssyncset.done $0x0  }
0x3d: {  	[sflag:s26] =	ssyncadd.s32 $0xFFFFC000  }
0x3e: {  	_ =	swait.ge [sflag:s26], $0x4000  }
0x3f: {  	s1 =	simm.s32 $0x20;
	s5 =	simm.s32 $0x40;
	[sflag:s26] =	ssyncset.done $0x0  }
.LBB2_2:
0x40: {  	s8 =	sadd.s32 s1, s14  }
0x41: {  	[sflag:s26] =	ssyncadd.s32 $0xFFFFC000;
	s9 =	smov.u32 s5;
	s7 =	sadd.s32 $0x20, s5  }
0x42: {  	[tilespmem:s17], [sflag:$0x1] =	stream.linear.gather [hbm4b:s8+s3], $0x80, $0x38;
	[tilespmem:$0x1CB00] =	vst v63  }
0x43: {  	p0 =	sne.s32 s5, $0x4C0;
	s5 =	sadd.s32 s1, s13  }
0x44: {  	[tilespmem:s18], [sflag:$0x1] =	stream.linear.gather [hbm4b:s5+s3], $0x80, $0x38;
	[tilespmem:$0x1CB00] =	vst v63  }
0x45: {  	s5 =	sadd.s32 s1, s12  }
0x46: {  	[tilespmem:s19], [sflag:$0x1] =	stream.linear.gather [hbm4b:s5+s3], $0x80, $0x38;
	[tilespmem:$0x1CB00] =	vst v63  }
0x47: {  	s5 =	sadd.s32 s1, s11;
	s1 =	smov.u32 s9  }
0x48: {  	[tilespmem:s20], [sflag:$0x1] =	stream.linear.gather [hbm4b:s5+s3], $0x80, $0x38;
	[tilespmem:$0x1CB00] =	vst v63  }
0x49: {  	_ =	swait.ge [sflag:s21], $0x80  }
0x4a: {  	[sflag:s21] =	ssyncset.done $0x0  }
0x4b: {  	[sflag:s21] =	ssyncadd.s32 $0xFFFFFF80  }
0x4c: {  	[tilespmem:s23], [sflag:$0x2] =	stream.indirect.gather [hbm4b:s4+s22], $0x80, s17, s22, $0xb8;
	[tilespmem:$0x1CB00] =	vst v63  }
0x4d: {  	_ =	swait.ge [sflag:s21], $0x80  }
0x4e: {  	[sflag:s21] =	ssyncset.done $0x0  }
0x4f: {  	[sflag:s21] =	ssyncadd.s32 $0xFFFFFF80  }
0x50: {  	[tilespmem:s24], [sflag:$0x2] =	stream.indirect.gather [hbm4b:s4+s22], $0x80, s19, s22, $0xb8;
	[tilespmem:$0x1CB00] =	vst v63  }
0x51: {  	_ =	swait.ge [sflag:s25], $0x4000  }
0x52: {  	[sflag:s25] =	ssyncset.done $0x0  }
0x53: {  	[sflag:s25] =	ssyncadd.s32 $0xFFFFC000  }
0x54: {  	_ =	swait.ge [sflag:s21], $0x80  }
0x55: {  	[sflag:s21] =	ssyncset.done $0x0  }
0x56: {  	[sflag:s21] =	ssyncadd.s32 $0xFFFFFF80  }
0x57: {  	[spmem:s2] =	stream.indirect.scatter.add.f32 [tilespmem:s23], [sflag:$0x3], $0x80, s18, s22, $0xb8;
	[tilespmem:$0x1CB00] =	vst v63  }
0x58: {  	_ =	swait.ge [sflag:s25], $0x4000  }
0x59: {  	[sflag:s25] =	ssyncset.done $0x0  }
0x5a: {  	[sflag:s25] =	ssyncadd.s32 $0xFFFFC000  }
0x5b: {  	_ =	swait.ge [sflag:s21], $0x80  }
0x5c: {  	[sflag:s21] =	ssyncset.done $0x0  }
0x5d: {  	[sflag:s21] =	ssyncadd.s32 $0xFFFFFF80  }
0x5e: {  	[spmem:s2] =	stream.indirect.scatter.add.f32 [tilespmem:s24], [sflag:$0x3], $0x80, s20, s22, $0xb8;
	[tilespmem:$0x1CB00] =	vst v63  }
.Ltmp0:
0x5f: {  	_ =	swait.ge [sflag:s26], $0x4000;
	(pc) =	sbr.rel @p0 .LBB2_2-.Ltmp0, $4  }
0x60: {  	[sflag:s26] =	ssyncset.done $0x0  }
0x61: {  	[sflag:s26] =	ssyncadd.s32 $0xFFFFC000  }
0x62: {  	_ =	swait.ge [sflag:s26], $0x4000  }
0x63: {  	s5 =	smov.u32 s7;
	[sflag:s26] =	ssyncset.done $0x0  }
0x64: {  	s5 =	sadd.s32 s1, s14;
	[sflag:s26] =	ssyncadd.s32 $0xFFFFC000  }
0x65: {  	[tilespmem:s17], [sflag:$0x1] =	stream.linear.gather [hbm4b:s5+s3], $0x80, $0x38;
	[tilespmem:$0x1CB00] =	vst v63  }
0x66: {  	s8 =	sadd.s32 s1, s13  }
0x67: {  	[tilespmem:s18], [sflag:$0x1] =	stream.linear.gather [hbm4b:s8+s3], $0x80, $0x38;
	[tilespmem:$0x1CB00] =	vst v63  }
0x68: {  	s9 =	sadd.s32 s1, s12  }
0x69: {  	[tilespmem:s19], [sflag:$0x1] =	stream.linear.gather [hbm4b:s9+s3], $0x80, $0x38;
	[tilespmem:$0x1CB00] =	vst v63  }
0x6a: {  	s5 =	sadd.s32 s1, s11  }
0x6b: {  	[tilespmem:s20], [sflag:$0x1] =	stream.linear.gather [hbm4b:s5+s3], $0x80, $0x38;
	[tilespmem:$0x1CB00] =	vst v63  }
0x6c: {  	_ =	swait.ge [sflag:s21], $0x80  }
0x6d: {  	[sflag:s21] =	ssyncset.done $0x0  }
0x6e: {  	[sflag:s21] =	ssyncadd.s32 $0xFFFFFF80  }
0x6f: {  	[tilespmem:s23], [sflag:$0x2] =	stream.indirect.gather [hbm4b:s4+s22], $0x80, s17, s22, $0xb8;
	[tilespmem:$0x1CB00] =	vst v63  }
0x70: {  	_ =	swait.ge [sflag:s21], $0x80  }
0x71: {  	[sflag:s21] =	ssyncset.done $0x0  }
0x72: {  	[sflag:s21] =	ssyncadd.s32 $0xFFFFFF80  }
0x73: {  	[tilespmem:s24], [sflag:$0x2] =	stream.indirect.gather [hbm4b:s4+s22], $0x80, s19, s22, $0xb8;
	[tilespmem:$0x1CB00] =	vst v63  }
0x74: {  	_ =	swait.ge [sflag:s25], $0x4000  }
0x75: {  	[sflag:s25] =	ssyncset.done $0x0  }
0x76: {  	[sflag:s25] =	ssyncadd.s32 $0xFFFFC000  }
0x77: {  	_ =	swait.ge [sflag:s21], $0x80  }
0x78: {  	[sflag:s21] =	ssyncset.done $0x0  }
0x79: {  	[sflag:s21] =	ssyncadd.s32 $0xFFFFFF80  }
0x7a: {  	[spmem:s2] =	stream.indirect.scatter.add.f32 [tilespmem:s23], [sflag:$0x3], $0x80, s18, s22, $0xb8;
	[tilespmem:$0x1CB00] =	vst v63  }
0x7b: {  	_ =	swait.ge [sflag:s25], $0x4000  }
0x7c: {  	[sflag:s25] =	ssyncset.done $0x0  }
0x7d: {  	[sflag:s25] =	ssyncadd.s32 $0xFFFFC000  }
0x7e: {  	_ =	swait.ge [sflag:s21], $0x80  }
0x7f: {  	[sflag:s21] =	ssyncset.done $0x0  }
0x80: {  	[sflag:s21] =	ssyncadd.s32 $0xFFFFFF80  }
0x81: {  	[spmem:s2] =	stream.indirect.scatter.add.f32 [tilespmem:s24], [sflag:$0x3], $0x80, s20, s22, $0xb8;
	[tilespmem:$0x1CB00] =	vst v63  }
0x82: {  	_ =	swait.ge [sflag:s26], $0x4000  }
0x83: {  	[sflag:s26] =	ssyncset.done $0x0  }
0x84: {  	[sflag:s26] =	ssyncadd.s32 $0xFFFFC000  }
0x85: {  	_ =	swait.ge [sflag:s26], $0x4000  }
0x86: {  	[sflag:s26] =	ssyncset.done $0x0  }
0x87: {  	s7 =	rddreg [dreg:$0x4];
	[sflag:s26] =	ssyncadd.s32 $0xFFFFC000  }
0x88: {  	[tilespmem:s28], [sflag:$0x4] =	stream.linear.gather [hbm4b:s7+s3], $0x10, $0x38;
	[tilespmem:$0x1CB00] =	vst v63  }
0x89: {  	_ =	swait.ge [sflag:s16], $0x10  }
0x8a: {  	[sflag:s16] =	ssyncset.done $0x0  }
0x8b: {  	s8 =	rddreg [dreg:$0x5];
	[sflag:s16] =	ssyncadd.s32 $0xFFFFFFF0  }
0x8c: {  	[tilespmem:s29], [sflag:$0x4] =	stream.linear.gather [hbm4b:s8+s3], $0x10, $0x38;
	[tilespmem:$0x1CB00] =	vst v63  }
0x8d: {  	_ =	swait.ge [sflag:s16], $0x10  }
0x8e: {  	[sflag:s16] =	ssyncset.done $0x0  }
0x8f: {  	[sflag:s16] =	ssyncadd.s32 $0xFFFFFFF0  }
0x90: {  	[tilespmem:s31], [sflag:$0x2] =	stream.indirect.gather [hbm4b:s4+s30], $0x80, s28, s30, $0xb8;
	[tilespmem:$0x1CB00] =	vst v63  }
0x91: {  	_ =	swait.ge [sflag:s25], $0x800  }
0x92: {  	[sflag:s25] =	ssyncset.done $0x0  }
0x93: {  	[sflag:s25] =	ssyncadd.s32 $0xFFFFF800  }
0x94: {  	[spmem:s2] =	stream.indirect.scatter.add.f32 [tilespmem:s31], [sflag:$0x4], $0x80, s29, s30, $0xb8;
	[tilespmem:$0x1CB00] =	vst v63  }
0x95: {  	_ =	swait.ge [sflag:s16], $0x800  }
0x96: {  	[sflag:s16] =	ssyncset.done $0x0  }
0x97: {  	s0 =	sadd.s32 $0x1, s0;
	[sflag:s16] =	ssyncadd.s32 $0xFFFFF800  }
0x98: {  	p0 =	sne.s32 s0, s10;
	[bflag:$0x0] =	sbarrier.arrive $0xFFFF  }
.Ltmp1:
0x99: {  	s9 =	rddreg [dreg:$0x6];
	(pc) =	sbr.rel @p0 .LBB2_1-.Ltmp1, $4  }
0x9a: {  	[hbm:s9], [sflag:s6] =	dma.local [spmem:s15], $0x2800  }
0x9b: {  	_ =	swait.ge [sflag:s16], $0x2800  }
0x9c: {  	[sflag:s16] =	ssyncset.done $0x0  }
0x9d: {  	[sflag:s16] =	ssyncadd.s32 $0xFFFFD800  }
0x9e: {  	_ =	sfence.sel $0x180000  }
0x9f: {  	[bflag:$0x0] =	sbarrier.arrive $0xFFFF  }
0xa0: {  	_ =	strace $0x9000004D  }
0xa1: {  	s0 =	stileid.u32;
	[bflag:$0x2] =	sbarrier.arrive $0xFFFF  }
0xa2: {  	p0 =	sne.s32 s0, $0x0;
	s0 =	rddreg [dreg:$0x2]  }
0xa3: {  	s0 =	sadd.s32 @!p0 $0x100000, s0  }
0xa4: {  	[sflag:s0] =	ssyncadd.tile.s32 @!p0 $0x1;
	_ =	shalt  }
.Lfunc_end2:
_tile_overlayer_lowered:
.L_overlay_start_2:
0xa5: {  	(tag) =	ssettag $0x2  }
0xa6: {  	s0 =	rddreg [dreg:$0x0];
	s2 =	stileid.u32  }
0xa7: {  	s1 =	rddreg [dreg:$0x1];
	p0 =	sne.s32 s2, $0x0  }
0xa8: {  	s3 =	rddreg [dreg:$0x2];
	[bflag:$0x3] =	sbarrier.arrive $0xFFFF;
	s2 =	simm.s32 @!p0 $0x1C04  }
0xa9: {  	[timem:s3], [sflag:s2] =	dma.local @!p0 [hbm:s0], s1  }
0xaa: {  	s0 =	simm.s32 @!p0 $0x4  }
0xab: {  	_ =	swait.ge @!p0 [sflag:s0], s1  }
0xac: {  	s1 =	ssub.s32 @!p0 $0x0, s1;
	[sflag:s0] =	ssyncset.done @!p0 $0x0  }
0xad: {  	[sflag:s0] =	ssyncadd.s32 @!p0 s1  }
0xae: {  	[bflag:$0x3] =	sbarrier.arrive $0xFFFF  }
0xaf: {  	_ =	shalt  }

// kernel: kernel.8.cloned.1.call-start
scs
__scs_entry_jumppad:
0x0: {  	(pc) =	sbr.rel $0x88, $3  }
0x1: {  	(tag) =	ssettag $0x0;
	lr =	simm.s32 $0x1  }
0x2: {  	[smem:$0x3F9B] =	sst lr;
	_ =	strace $0xD0000000  }
0x3: {  	_ = 	snop  }
0x4: {  	_ = 	snop  }
0x5: {  	_ = 	snop  }
0x6: {  	_ = 	snop  }
0x7: {  	_ = 	snop  }
__scs_overlays_trampoline_lowered:
0x8: {  	[smem:$0x3FAA] =	sst s0  }
0x9: {  	[smem:$0x3FAB] =	sst s1  }
0xa: {  	[smem:$0x3FAC] =	sst s2  }
0xb: {  	[smem:$0x3FAD] =	sst s3  }
0xc: {  	[smem:$0x3FAE] =	sst s4  }
0xd: {  	[smem:$0x3FAF] =	sst s5  }
0xe: {  	[smem:$0x3FB0] =	sst s6  }
0xf: {  	[smem:$0x3FB1] =	sst s7  }
0x10: {  	[smem:$0x3FB2] =	sst s8  }
0x11: {  	[smem:$0x3FB3] =	sst s9;
	s0 =	simm.s32 @!p0 $0x0  }
0x12: {  	s1 =	sld [smem:$0x3F99];
	s0 =	simm.s32 @p0 $0x1  }
0x13: {  	[smem:$0x3FB4] =	sst s0;
	s0 =	simm.s32 @!p1 $0x0  }
0x14: {  	s2 =	sld [smem:$0x3F98];
	s0 =	simm.s32 @p1 $0x1  }
0x15: {  	[smem:$0x3FB5] =	sst s0;
	s0 =	simm.s32 @!p2 $0x0  }
0x16: {  	s3 =	sld [smem:$0x3FDB];
	s0 =	simm.s32 @p2 $0x1  }
0x17: {  	s4 =	simm.s32 $0x1BF5;
	[smem:$0x3FB7] =	sst s0  }
0x18: {  	s0 =	sld [smem:$0x3F9A];
	_ =	swait.ge [sflag:s4], $0x0  }
0x19: {  	s7 =	sld [smem:$0x3F9B]  }
0x1a: {  	s8 =	sadd.s32 $0xFFFFE003, lr  }
0x1b: {  	s9 =	sadd.s32 $0xFFFFFEF7, lr;
	s5 =	simm.s32 $0xFFFFFFFF;
	p2 =	slt.u32 s8, $0xFFFFF086  }
0x1c: {  	p1 =	slt.u32 s9, $0xF7A;
	s5 =	simm.s32 @!p2 $0x0  }
0x1d: {  	s5 =	simm.s32 @p1 $0x1;
	p0 =	seq.s32 s7, s2  }
0x1e: {  	s7 =	smul.u32 @!p0 $0xF7A, s2;
	p2 =	seq.s32 @!p0 s5, $0x0  }
0x1f: {  	s9 =	smul.u32 $0xF7A, s1;
	s8 =	simm.s32 @!p0 $0x1BF5;
	p2 =	por !p2, p0  }
0x20: {  	[sflag:s8] =	ssyncset.s32 @!p0 $0xFFFFF086;
	s6 =	sadd.s32 @!p0 s3, s7;
	s7 =	simm.s32 @!p0 $0x108  }
0x21: {  	s3 =	sadd.s32 s3, s9;
	s6 =	sadd.s32 @!p0 $0x88, s6;
	s7 =	simm.s32 @p2 $0x1082  }
0x22: {  	[simem:s7], [sflag:s8] =	dma.local @!p0 [hbm:s6], $0xF7A  }
0x23: {  	s9 =	sor.u32 $0xD0000000, s2;
	s6 =	simm.s32 $0x108;
	_ =	swait.ge @!p0 [sflag:s8], $0x0  }
0x24: {  	s3 =	sadd.s32 $0x88, s3;
	s6 =	simm.s32 @!p1 $0x1082;
	[sflag:s4] =	ssyncset.s32 $0xFFFFF086  }
0x25: {  	[simem:s6], [sflag:s4] =	dma.local [hbm:s3], $0xF7A  }
0x26: {  	[smem:$0x3F9B] =	sst s1;
	(tag) =	ssettag s2;
	_ =	strace s9  }
0x27: {  	s1 =	sld [smem:$0x3FAB]  }
0x28: {  	s2 =	sld [smem:$0x3FAC]  }
0x29: {  	s4 =	sld [smem:$0x3FAE]  }
0x2a: {  	p0 =	seq.s32 s5, $0x0;
	s5 =	sld [smem:$0x3FAF]  }
0x2b: {  	s6 =	sld [smem:$0x3FB0]  }
0x2c: {  	s7 =	sld [smem:$0x3FB1]  }
0x2d: {  	s3 =	simm.s32 $0x108;
	s8 =	sld [smem:$0x3FB2]  }
0x2e: {  	s3 =	simm.s32 @!p0 $0x1082;
	s9 =	sld [smem:$0x3FB3]  }
0x2f: {  	lr =	sadd.s32 s0, s3;
	s0 =	sld [smem:$0x3FAA]  }
0x30: {  	s3 =	sld [smem:$0x3FAD]  }
0x31: {  	[smem:$0x3FB6] =	sst s10  }
0x32: {  	s10 =	sld [smem:$0x3FB4];
	_ =	sdelay $0x3  }
0x33: {  	p0 =	seq.s32 s10, $0x1;
	s10 =	sld [smem:$0x3FB6];
	_ =	sdelay $0x3  }
0x34: {  	[smem:$0x3FB6] =	sst s10  }
0x35: {  	s10 =	sld [smem:$0x3FB5];
	_ =	sdelay $0x3  }
0x36: {  	p1 =	seq.s32 s10, $0x1;
	s10 =	sld [smem:$0x3FB6];
	_ =	sdelay $0x3  }
0x37: {  	[smem:$0x3FB6] =	sst s10  }
0x38: {  	s10 =	sld [smem:$0x3FB7]  }
0x39: {  	_ = 	snop;
	(pc) =	sbr.ind lr, $3  }
0x3a: {  	_ = 	snop  }
0x3b: {  	_ = 	snop  }
0x3c: {  	p2 =	seq.s32 s10, $0x1;
	s10 =	sld [smem:$0x3FB6]  }
0x3d: {  	_ =	shalt  }
0x3e: {  	_ =	shalt  }
0x3f: {  	_ =	shalt  }
0x40: {  	_ =	shalt  }
0x41: {  	_ =	shalt  }
0x42: {  	_ =	shalt  }
0x43: {  	_ =	shalt  }
0x44: {  	_ =	shalt  }
0x45: {  	_ =	shalt  }
0x46: {  	_ =	shalt  }
0x47: {  	_ =	shalt  }
0x48: {  	_ =	shalt  }
0x49: {  	_ =	shalt  }
0x4a: {  	_ =	shalt  }
0x4b: {  	_ =	shalt  }
0x4c: {  	_ =	shalt  }
0x4d: {  	_ =	shalt  }
0x4e: {  	_ =	shalt  }
0x4f: {  	_ =	shalt  }
0x50: {  	_ =	shalt  }
0x51: {  	_ =	shalt  }
0x52: {  	_ =	shalt  }
0x53: {  	_ =	shalt  }
0x54: {  	_ =	shalt  }
0x55: {  	_ =	shalt  }
0x56: {  	_ =	shalt  }
0x57: {  	_ =	shalt  }
0x58: {  	_ =	shalt  }
0x59: {  	_ =	shalt  }
0x5a: {  	_ =	shalt  }
0x5b: {  	_ =	shalt  }
0x5c: {  	_ =	shalt  }
0x5d: {  	_ =	shalt  }
0x5e: {  	_ =	shalt  }
0x5f: {  	_ =	shalt  }
0x60: {  	_ =	shalt  }
0x61: {  	_ =	shalt  }
0x62: {  	_ =	shalt  }
0x63: {  	_ =	shalt  }
0x64: {  	_ =	shalt  }
0x65: {  	_ =	shalt  }
0x66: {  	_ =	shalt  }
0x67: {  	_ =	shalt  }
0x68: {  	_ =	shalt  }
0x69: {  	_ =	shalt  }
0x6a: {  	_ =	shalt  }
0x6b: {  	_ =	shalt  }
0x6c: {  	_ =	shalt  }
0x6d: {  	_ =	shalt  }
0x6e: {  	_ =	shalt  }
0x6f: {  	_ =	shalt  }
0x70: {  	_ =	shalt  }
0x71: {  	_ =	shalt  }
0x72: {  	_ =	shalt  }
0x73: {  	_ =	shalt  }
0x74: {  	_ =	shalt  }
0x75: {  	_ =	shalt  }
0x76: {  	_ =	shalt  }
0x77: {  	_ =	shalt  }
0x78: {  	_ =	shalt  }
0x79: {  	_ =	shalt  }
0x7a: {  	_ =	shalt  }
0x7b: {  	_ =	shalt  }
0x7c: {  	_ =	shalt  }
0x7d: {  	_ =	shalt  }
0x7e: {  	_ =	shalt  }
0x7f: {  	_ =	shalt  }
0x80: {  	_ =	shalt  }
0x81: {  	_ =	shalt  }
0x82: {  	_ =	shalt  }
0x83: {  	_ =	shalt  }
0x84: {  	_ =	shalt  }
0x85: {  	_ =	shalt  }
0x86: {  	_ =	shalt  }
0x87: {  	_ =	shalt  }
.Lfunc_end0:
.L_simem_size_0:
called_computation_lowered:
.L_overlay_start_0:
0x88: {  	s2 =	sld [smem:$0x3FD9]  }
0x89: {  	s3 =	sld [smem:$0x3FFE];
	_ =	sdelay $0x1  }
0x8a: {  	s1 =	srdreg.scid  }
0x8b: {  	s0 =	sand.u32 $0x1, s1  }
0x8c: {  	s17 =	sshll.u32 s0, $0xA;
	s2 =	sadd.s32 s3, s2  }
0x8d: {  	s2 =	sadd.s32 s2, s17  }
0x8e: {  	[smem:$0x3FC2] =	sst s2  }
0x8f: {  	_ = 	snop  }
0x90: {  	s2 =	sld [smem:$0x3FD0];
	(tm) =	ssettm $0x1  }
0x91: {  	s18 =	sld [smem:$0x3FFB];
	_ =	sdelay $0x3  }
0x92: {  	_ =	strace s18  }
0x93: {  	s3 =	sld [smem:$0x3FFC];
	_ =	sdelay $0x3  }
0x94: {  	_ =	strace s3  }
0x95: {  	s3 =	sld [smem:$0x3FFD];
	_ =	sdelay $0x3  }
0x96: {  	_ =	strace s3  }
0x97: {  	_ =	strace $0x8FFFFFFF  }
0x98: {  	s19 =	sld [smem:$0x3FDB];
	_ =	sdelay $0x1  }
0x99: {  	s4 =	simm.s32 $_scs_section_size  }
0x9a: {  	s5 =	simm.s32 $_size__tile_overlayer_lowered;
	s6 =	simm.s32 $_tile_overlayer_lowered  }
0x9b: {  	s22 =	simm.s32 $0x1BFF;
	s21 =	sshll.u32 s6, $0x1;
	s3 =	sadd.s32 s4, s19  }
0x9c: {  	s7 =	simm.s32 $0x0;
	s20 =	sshll.u32 s5, $0x1;
	s5 =	sadd.s32 s21, s3  }
0x9d: {  	[timem:s7], [sflag:s22] =	dma.local [hbm:s5], s20  }
0x9e: {  	_ =	swait.ge [sflag:s22], s20  }
0x9f: {  	s4 =	ssub.s32 $0x0, s20;
	[sflag:s22] =	ssyncset.done $0x0  }
0xa0: {  	[sflag:s22] =	ssyncadd.s32 s4;
	_ =	sdelay $0x1  }
0xa1: {  	s23 =	simm.s32 $0x1B8B  }
0xa2: {  	_ =	swait.ge [sflag:s23], $0x1  }
0xa3: {  	[sflag:s23] =	ssyncset.done $0x0  }
0xa4: {  	s25 =	simm.s32 $0x1B8E;
	s24 =	sld [smem:$0x3FFE];
	[sflag:s23] =	ssyncadd.s32 $0xFFFFFFFF  }
0xa5: {  	s26 =	simm.s32 $execute0_lowered;
	[smem:$0x3FD2] =	sst s25  }
0xa6: {  	s5 =	sshll.u32 s26, $0x1;
	_ =	strace $0x80000046;
	[dreg:$0x1] =	wrdreg $0xFFFFFFFF  }
0xa7: {  	s28 =	simm.s32 $_size_execute0_lowered;
	s3 =	sadd.s32 s3, s5;
	[dreg:$0x0] =	wrdreg $0x0  }
0xa8: {  	s5 =	sshll.u32 s28, $0x1;
	[dreg:$0x2] =	wrdreg s3  }
0xa9: {  	[dreg:$0x3] =	wrdreg s5  }
0xaa: {  	[dreg:$0x4] =	wrdreg $0xC0  }
0xab: {  	_ =	task [dreg:s7], $0x5FFFF  }
0xac: {  	[dreg:$0x1] =	wrdreg $0xFFFFFFFF  }
0xad: {  	[dreg:$0x0] =	wrdreg $0x60  }
0xae: {  	[dreg:$0x2] =	wrdreg s2  }
0xaf: {  	[dreg:$0x3] =	wrdreg s24  }
0xb0: {  	[dreg:$0x4] =	wrdreg $0x0  }
0xb1: {  	[dreg:$0x5] =	wrdreg $0x9  }
0xb2: {  	_ =	task.clear_ibuf [dreg:s7], $0x6FFFF;
	_ =	strace $0x90000046  }
0xb3: {  	s29 =	simm.s32 $0x9;
	_ =	strace $0x80000048  }
0xb4: {  	_ =	swait.ge [sflag:s29], $0x1  }
0xb5: {  	[sflag:s29] =	ssyncadd.s32 $0xFFFFFFFF  }
0xb6: {  	_ =	strace $0x90000048  }
0xb7: {  	_ =	sfence  }
0xb8: {  	s30 =	sld [smem:$0x0];
	_ =	sdelay $0x2  }
0xb9: {  	s31 =	sshll.u32 s1, $0xD;
	s1 =	sshrl.u32 s1, $0x2  }
0xba: {  	s3 =	sand.u32 $0x4000, s31;
	s1 =	sadd.s32 s1, s30  }
0xbb: {  	s0 =	sor.u32 s3, s0;
	s1 =	sshll.u32 s1, $0x11  }
0xbc: {  	s0 =	sor.u32 s1, s0  }
0xbd: {  	s0 =	sadd.s32 $0x8F2B, s0  }
0xbe: {  	[sflag:s0] =	ssyncadd.remote.s32 $0x1  }
0xbf: {  	_ =	sfence.sel $0xFFFF  }
0xc0: {  	[dreg:$0x0] =	wrdreg $0xFFFFFFFF;
	(pc) =	sbr.abs _section_cstart, $3  }
0xc1: {  	[dreg:$0x1] =	wrdreg $0xFFFFFFFF  }
0xc2: {  	_ =	task.clear_ibuf [dreg:s7], $0x2FFFF;
	_ =	strace $0x9FFFFFFF  }
0xc3: {  	(tm) =	ssettm $0x7FFFFFFF  }
tec
execute0_lowered:
.L_overlay_start_1:
0x0: {  	(tag) =	ssettag $0x1  }
0x1: {  	s4 =	rddreg [dreg:$0x0]  }
0x2: {  	s5 =	rddreg [dreg:$0x1]  }
0x3: {  	s0 =	srdreg.scid;
	s2 =	rddreg [dreg:$0x2]  }
0x4: {  	s1 =	stileid.u32;
	s3 =	simm.s32 $0x0;
	s11 =	simm.s32 $0x50  }
0x5: {  	s12 =	simm.s32 $0x16800;
	s13 =	simm.s32 $0x1;
	s14 =	simm.s32 $0x1CE00  }
0x6: {  	s6 =	sand.u32 $0x1, s0;
	s0 =	rddreg [dreg:$0x3];
	s8 =	smul.u32 $0x14000, s1  }
0x7: {  	[smem:$0x7FF] =	sst s3;
	s9 =	smul.u32 $0x50000, s1;
	s10 =	sshll.u32 s1, $0xC  }
0x8: {  	s15 =	sshll.u32 s1, $0x6;
	s7 =	smul.u32 $0x140000, s6;
	_ =	strace $0x80000047  }
0x9: {  	s29 =	ssub.s32 $0x2, s6;
	s6 =	sshll.u32 s6, $0xB;
	s15 =	sor.u32 $0x1C02, s15  }
0xa: {  	s30 =	sshrl.u32 s29, $0x1;
	s4 =	sadd.s32 s4, s6;
	s7 =	sadd.s32 s8, s7  }
0xb: {  	s31 =	sshrl.u32 s9, $0x2;
	s9 =	simm.s32 $0x2;
	s7 =	sshrl.u32 s7, $0x3  }
0xc: {  	s8 =	ssub.s32 s29, s30;
	s4 =	sadd.s32 s10, s4;
	s7 =	sadd.s32 s7, s5  }
0xd: {  	s10 =	simm.s32 $0x2800;
	s5 =	sadd.s32 s31, s2;
	s6 =	sadd.s32 $0x15C00, s7  }
0xe: {  	v0 =	vimm.f32 $0.0e+00;
	v1 =	vimm.f32 $1.000000000e+00;
	s7 =	smax.u32 s8, $0x1;
	s8 =	simm.s32 $0x19000;
	s16 =	sshrl.u32 s5, $0x3  }
.LBB2_1:
0xf: {  	s17 =	simm.s32 $0x0  }
.LBB2_2:
0x10: {  	p0 =	sne.s32 s17, $0x4FE00  }
.Ltmp0:
0x11: {  	_ = 	snop;
	(pc) =	sbr.rel @p0 .LBB2_2-.Ltmp0, $3  }
0x12: {  	_ =	sdelay $0x1  }
0x13: {  	s18 =	sshra.s32 s17, $0x2  }
0x14: {  	s17 =	sadd.s32 $0x200, s17;
	[tilespmem:s18+$0x2800] =	vst v0  }
0x15: {  	s17 =	simm.s32 $0x200;
	s18 =	simm.s32 $0x0  }
.LBB2_4:
0x16: {  	p0 =	sne.s32 s17, $0x9E00;
	[tilespmem:s18+$0x16800] =	vst v1;
	s18 =	smov.u32 s17;
	s17 =	sadd.s32 $0x200, s17  }
.Ltmp1:
0x17: {  	(pc) =	sbr.rel @p0 .LBB2_4-.Ltmp1, $2  }
0x18: {  	_ =	sdelay $0x2  }
0x19: {  	s18 =	sshra.s32 s18, $0x2  }
0x1a: {  	[tilespmem:s18+$0x16800] =	vst v1;
	s17 =	simm.s32 $0x0  }
0x1b: {  	[tilespmem:s8], [sflag:$0x2] =	stream.linear.gather [hbm4b:s4+s17], $0x3E80, $0x38;
	[tilespmem:$0x1D000] =	vst v63  }
0x1c: {  	_ =	swait.ge [sflag:s9], $0x3E80  }
0x1d: {  	[sflag:s9] =	ssyncset.done $0x0  }
0x1e: {  	[sflag:s9] =	ssyncadd.s32 $0xFFFFC180  }
0x1f: {  	[spmem:s5] =	stream.linear.scatter [tilespmem:s10], [sflag:$0x2], $0x14000, $0x38;
	[tilespmem:$0x1D000] =	vst v63  }
0x20: {  	_ =	swait.ge [sflag:s9], $0x14000  }
0x21: {  	[sflag:s9] =	ssyncset.done $0x0  }
0x22: {  	[sflag:s9] =	ssyncadd.s32 $0xFFFEC000  }
0x23: {  	s28 =	simm.s32 $0x19000;
	[bflag:$0x0] =	sbarrier.arrive $0xFFFF  }
0x24: {  	[spmem:s2] =	stream.indirect.scatter.add.f32 [tilespmem:s12], [sflag:$0x1], $0x10, s28, s11, $0xb8;
	[tilespmem:$0x1D000] =	vst v63  }
0x25: {  	s29 =	simm.s32 $0x19080  }
0x26: {  	[spmem:s2] =	stream.indirect.scatter.add.f32 [tilespmem:s12], [sflag:$0x1], $0x10, s29, s11, $0xb8;
	[tilespmem:$0x1D000] =	vst v63  }
0x27: {  	s30 =	simm.s32 $0x19100  }
0x28: {  	[spmem:s2] =	stream.indirect.scatter.add.f32 [tilespmem:s12], [sflag:$0x1], $0x10, s30, s11, $0xb8;
	[tilespmem:$0x1D000] =	vst v63  }
0x29: {  	s31 =	simm.s32 $0x19180  }
0x2a: {  	[spmem:s2] =	stream.indirect.scatter.add.f32 [tilespmem:s12], [sflag:$0x1], $0x10, s31, s11, $0xb8;
	[tilespmem:$0x1D000] =	vst v63  }
0x2b: {  	_ =	swait.ge [sflag:s13], $0x500  }
0x2c: {  	[sflag:s13] =	ssyncset.done $0x0  }
0x2d: {  	[sflag:s13] =	ssyncadd.s32 $0xFFFFFB00  }
0x2e: {  	_ =	swait.ge [sflag:s13], $0x500  }
0x2f: {  	[sflag:s13] =	ssyncset.done $0x0  }
0x30: {  	[sflag:s13] =	ssyncadd.s32 $0xFFFFFB00  }
0x31: {  	_ =	swait.ge [sflag:s13], $0x500  }
0x32: {  	[sflag:s13] =	ssyncset.done $0x0  }
0x33: {  	[sflag:s13] =	ssyncadd.s32 $0xFFFFFB00  }
0x34: {  	_ =	swait.ge [sflag:s13], $0x500  }
0x35: {  	s18 =	simm.s32 $0x1000;
	s17 =	simm.s32 $0x200;
	[sflag:s13] =	ssyncset.done $0x0  }
.LBB2_6:
0x36: {  	s19 =	sadd.s32 $0x19000, s17  }
0x37: {  	[sflag:s13] =	ssyncadd.s32 $0xFFFFFB00;
	s20 =	smov.u32 s18;
	s21 =	sadd.s32 $0x800, s18  }
0x38: {  	[spmem:s2] =	stream.indirect.scatter.add.f32 [tilespmem:s12], [sflag:$0x1], $0x10, s19, s11, $0xb8;
	[tilespmem:$0x1D000] =	vst v63  }
0x39: {  	p0 =	sne.s32 s18, $0xF000;
	s18 =	sadd.s32 $0x19080, s17  }
0x3a: {  	[spmem:s2] =	stream.indirect.scatter.add.f32 [tilespmem:s12], [sflag:$0x1], $0x10, s18, s11, $0xb8;
	[tilespmem:$0x1D000] =	vst v63  }
0x3b: {  	s18 =	sadd.s32 $0x19100, s17  }
0x3c: {  	[spmem:s2] =	stream.indirect.scatter.add.f32 [tilespmem:s12], [sflag:$0x1], $0x10, s18, s11, $0xb8;
	[tilespmem:$0x1D000] =	vst v63  }
0x3d: {  	s17 =	sadd.s32 $0x19180, s17  }
0x3e: {  	[spmem:s2] =	stream.indirect.scatter.add.f32 [tilespmem:s12], [sflag:$0x1], $0x10, s17, s11, $0xb8;
	[tilespmem:$0x1D000] =	vst v63  }
0x3f: {  	_ =	swait.ge [sflag:s13], $0x500  }
0x40: {  	[sflag:s13] =	ssyncset.done $0x0  }
0x41: {  	[sflag:s13] =	ssyncadd.s32 $0xFFFFFB00  }
0x42: {  	_ =	swait.ge [sflag:s13], $0x500  }
0x43: {  	[sflag:s13] =	ssyncset.done $0x0  }
0x44: {  	[sflag:s13] =	ssyncadd.s32 $0xFFFFFB00  }
.Ltmp2:
0x45: {  	_ =	swait.ge [sflag:s13], $0x500;
	(pc) =	sbr.rel @p0 .LBB2_6-.Ltmp2, $4  }
0x46: {  	[sflag:s13] =	ssyncset.done $0x0  }
0x47: {  	[sflag:s13] =	ssyncadd.s32 $0xFFFFFB00  }
0x48: {  	_ =	swait.ge [sflag:s13], $0x500  }
0x49: {  	s18 =	smov.u32 s21;
	s17 =	sshra.s32 s20, $0x2;
	[sflag:s13] =	ssyncset.done $0x0  }
0x4a: {  	s18 =	sadd.s32 $0x19000, s17;
	[sflag:s13] =	ssyncadd.s32 $0xFFFFFB00  }
0x4b: {  	[spmem:s2] =	stream.indirect.scatter.add.f32 [tilespmem:s12], [sflag:$0x1], $0x10, s18, s11, $0xb8;
	[tilespmem:$0x1D000] =	vst v63  }
0x4c: {  	s29 =	sadd.s32 $0x19080, s17  }
0x4d: {  	[spmem:s2] =	stream.indirect.scatter.add.f32 [tilespmem:s12], [sflag:$0x1], $0x10, s29, s11, $0xb8;
	[tilespmem:$0x1D000] =	vst v63  }
0x4e: {  	s30 =	sadd.s32 $0x19100, s17  }
0x4f: {  	[spmem:s2] =	stream.indirect.scatter.add.f32 [tilespmem:s12], [sflag:$0x1], $0x10, s30, s11, $0xb8;
	[tilespmem:$0x1D000] =	vst v63  }
0x50: {  	s31 =	sadd.s32 $0x19180, s17  }
0x51: {  	[spmem:s2] =	stream.indirect.scatter.add.f32 [tilespmem:s12], [sflag:$0x1], $0x10, s31, s11, $0xb8;
	[tilespmem:$0x1D000] =	vst v63  }
0x52: {  	_ =	swait.ge [sflag:s13], $0x500  }
0x53: {  	[sflag:s13] =	ssyncset.done $0x0  }
0x54: {  	[sflag:s13] =	ssyncadd.s32 $0xFFFFFB00  }
0x55: {  	_ =	swait.ge [sflag:s13], $0x500  }
0x56: {  	[sflag:s13] =	ssyncset.done $0x0  }
0x57: {  	[sflag:s13] =	ssyncadd.s32 $0xFFFFFB00  }
0x58: {  	_ =	swait.ge [sflag:s13], $0x500  }
0x59: {  	[sflag:s13] =	ssyncset.done $0x0  }
0x5a: {  	[sflag:s13] =	ssyncadd.s32 $0xFFFFFB00  }
0x5b: {  	_ =	swait.ge [sflag:s13], $0x500  }
0x5c: {  	[sflag:s13] =	ssyncset.done $0x0  }
0x5d: {  	[sflag:s13] =	ssyncadd.s32 $0xFFFFFB00  }
0x5e: {  	[spmem:s2] =	stream.indirect.scatter.add.f32 [tilespmem:s12], [sflag:$0x1], $0x10, s14, s11, $0xb8;
	[tilespmem:$0x1D000] =	vst v63  }
0x5f: {  	_ =	swait.ge [sflag:s13], $0x500  }
0x60: {  	s3 =	sadd.s32 $0x1, s3;
	[sflag:s13] =	ssyncset.done $0x0  }
0x61: {  	p0 =	sne.s32 s3, s7;
	[sflag:s13] =	ssyncadd.s32 $0xFFFFFB00  }
.Ltmp3:
0x62: {  	[bflag:$0x0] =	sbarrier.arrive $0xFFFF;
	(pc) =	sbr.rel @p0 .LBB2_1-.Ltmp3, $4  }
0x63: {  	[hbm:s6], [sflag:s15] =	dma.local [spmem:s16], $0x2800  }
0x64: {  	_ =	swait.ge [sflag:s9], $0x2800  }
0x65: {  	[sflag:s9] =	ssyncset.done $0x0  }
0x66: {  	[sflag:s9] =	ssyncadd.s32 $0xFFFFD800  }
0x67: {  	_ =	sfence.sel $0x180000  }
0x68: {  	[bflag:$0x0] =	sbarrier.arrive $0xFFFF  }
0x69: {  	p0 =	sne.s32 s1, $0x0;
	_ =	strace $0x90000047  }
0x6a: {  	s0 =	sadd.s32 @!p0 $0x100000, s0;
	[bflag:$0x2] =	sbarrier.arrive $0xFFFF  }
0x6b: {  	[sflag:s0] =	ssyncadd.tile.s32 @!p0 $0x1;
	_ =	shalt  }
.Lfunc_end2:
_tile_overlayer_lowered:
.L_overlay_start_2:
0x6c: {  	(tag) =	ssettag $0x2  }
0x6d: {  	s0 =	rddreg [dreg:$0x0];
	s2 =	stileid.u32  }
0x6e: {  	s1 =	rddreg [dreg:$0x1];
	p0 =	sne.s32 s2, $0x0  }
0x6f: {  	s3 =	rddreg [dreg:$0x2];
	[bflag:$0x3] =	sbarrier.arrive $0xFFFF;
	s2 =	simm.s32 @!p0 $0x1C02  }
0x70: {  	[timem:s3], [sflag:s2] =	dma.local @!p0 [hbm:s0], s1  }
0x71: {  	s0 =	simm.s32 @!p0 $0x2  }
0x72: {  	_ =	swait.ge @!p0 [sflag:s0], s1  }
0x73: {  	s1 =	ssub.s32 @!p0 $0x0, s1;
	[sflag:s0] =	ssyncset.done @!p0 $0x0  }
0x74: {  	[sflag:s0] =	ssyncadd.s32 @!p0 s1  }
0x75: {  	[bflag:$0x3] =	sbarrier.arrive $0xFFFF  }
0x76: {  	_ =	shalt  }

</sc_bundles>
